<compile_context>
chip_gen: v7x
topology: tpu7x:2x2x1
jax: 0.10.2.dev20260603
libtpu: 0.0.44.dev20260713+nightly
codegen_flags: <defaults>
</compile_context>

<pallas_src>
import functools

import jax
import jax.numpy as jnp
from jax import lax
from jax.experimental import pallas as pl
from jax.experimental.pallas import tpu as pltpu
from jax.experimental.pallas import tpu_sc as plsc

B = 16384
EMB = 32
L = 16
NC = 2
NS = 16
NW = NC * NS
BPW = B // NW
CHUNK = 128
NCHUNK = BPW // CHUNK


def _permute(v, p):
    return lax.gather(
        v, p[:, None],
        lax.GatherDimensionNumbers(offset_dims=(), collapsed_slice_dims=(0,),
                                   start_index_map=(0,)),
        slice_sizes=(1,),
        mode=lax.GatherScatterMode.PROMISE_IN_BOUNDS)


def _sc_body(uid_hbm, iid_hbm, uemb_hbm, iemb_hbm, out_hbm,
             uidx_v, iidx_v, urows_v, irows_v, out_v, sem):
    wid = lax.axis_index("s") * NC + lax.axis_index("c")
    base = wid * BPW

    pltpu.sync_copy(uid_hbm.at[pl.ds(base, BPW)], uidx_v)
    pltpu.sync_copy(iid_hbm.at[pl.ds(base, BPW)], iidx_v)

    copies = []
    for j in range(NCHUNK):
        sl = pl.ds(j * CHUNK, CHUNK)
        copies.append(pltpu.async_copy(uemb_hbm.at[uidx_v.at[sl]],
                                       urows_v.at[sl], sem))
        copies.append(pltpu.async_copy(iemb_hbm.at[iidx_v.at[sl]],
                                       irows_v.at[sl], sem))
    for c in copies:
        c.wait()

    lanes = lax.iota(jnp.int32, L)
    perms = [jnp.arange(L, dtype=jnp.int32) ^ (1 << k) for k in range(4)]

    def grpfn(g, carry):
        b0 = g * L
        acc = jnp.zeros((L,), jnp.float32)
        for r in range(L):
            b = b0 + r
            u0 = urows_v[b, pl.ds(0, L)]
            u1 = urows_v[b, pl.ds(L, L)]
            i0 = irows_v[b, pl.ds(0, L)]
            i1 = irows_v[b, pl.ds(L, L)]
            v = u0 * i0 + u1 * i1
            for p in perms:
                v = v + _permute(v, p)
            acc = jnp.where(lanes == r, v, acc)
        out_v[pl.ds(b0, L)] = acc
        return carry

    lax.fori_loop(0, BPW // L, grpfn, 0, unroll=1)

    pltpu.sync_copy(out_v, out_hbm.at[pl.ds(base, BPW)])


@jax.jit
def _run(user_ids, item_ids, user_emb, item_emb):
    mesh = plsc.VectorSubcoreMesh(core_axis_name="c", subcore_axis_name="s")
    f = functools.partial(
        pl.kernel,
        out_type=jax.ShapeDtypeStruct((B,), jnp.float32),
        mesh=mesh,
        compiler_params=pltpu.CompilerParams(use_tc_tiling_on_sc=False),
        scratch_types=[
            pltpu.VMEM((BPW,), jnp.int32),
            pltpu.VMEM((BPW,), jnp.int32),
            pltpu.VMEM((BPW, EMB), jnp.float32),
            pltpu.VMEM((BPW, EMB), jnp.float32),
            pltpu.VMEM((BPW,), jnp.float32),
            pltpu.SemaphoreType.DMA,
        ],
    )(_sc_body)
    return f(user_ids, item_ids, user_emb, item_emb)


def kernel(user_ids, item_ids, user_emb, item_emb):
    return _run(user_ids.astype(jnp.int32), item_ids.astype(jnp.int32),
                user_emb, item_emb)

# --- scband reference (transcript-rebuilt; emitter-appended) ---
"""Pipeline reference for scband-matrix-factorization-34849364640304 (READ-ONLY COPY).

The authoritative reference and input builder live on the scoring server;
editing this copy changes nothing except your own understanding.
"""

import jax, jax.numpy as jnp
import numpy as np

NUM_USERS = 1000000
NUM_ITEMS = 1000000
EMB = 32
B = 16384


def setup_inputs(seed: int = 0) -> dict:
    key = jax.random.key(seed)
    k1, k2, k3, k4 = jax.random.split(key, 4)
    user_ids = jax.random.randint(k1, (B,), 0, NUM_USERS, dtype=jnp.int64) if jax.config.jax_enable_x64 else jax.random.randint(k1, (B,), 0, NUM_USERS)
    item_ids = jax.random.randint(k2, (B,), 0, NUM_ITEMS)
    user_emb = jax.random.normal(k3, (NUM_USERS, EMB), dtype=jnp.float32) * 0.02
    item_emb = jax.random.normal(k4, (NUM_ITEMS, EMB), dtype=jnp.float32) * 0.02
    return {"user_ids": user_ids, "item_ids": item_ids, "user_emb": user_emb, "item_emb": item_emb}


def reference(user_ids, item_ids, user_emb, item_emb):
    # MatrixFactorization.forward:
    #   u_vec = self.user_emb(user_ids); i_vec = self.item_emb(item_ids)
    #   return (u_vec * i_vec).sum(dim=1)
    u_vec = jnp.take(user_emb, user_ids, axis=0)
    i_vec = jnp.take(item_emb, item_ids, axis=0)
    return (u_vec * i_vec).sum(axis=1)

if __name__ == "__main__":
    import jax
    _d = setup_inputs()
    print(jax.jit(kernel)(*tuple(_d.values())))

</pallas_src>

<mosaic_0001>
#map = affine_map<(d0, d1) -> (0)>
#map1 = affine_map<(d0, d1) -> (0, 0)>
module attributes {stable_mosaic.version = 14 : i64} {
  func.func @_sc_body(%arg0: i32, %arg1: i32, %arg2: memref<16384xi32, #tpu.memory_space<hbm>>, %arg3: memref<16384xi32, #tpu.memory_space<hbm>>, %arg4: memref<1000000x32xf32, #tpu.memory_space<hbm>>, %arg5: memref<1000000x32xf32, #tpu.memory_space<hbm>>, %arg6: memref<16384xf32, #tpu.memory_space<hbm>>, %arg7: memref<512xi32, #tpu.memory_space<vmem>>, %arg8: memref<512xi32, #tpu.memory_space<vmem>>, %arg9: memref<512x32xf32, #tpu.memory_space<vmem>>, %arg10: memref<512x32xf32, #tpu.memory_space<vmem>>, %arg11: memref<512xf32, #tpu.memory_space<vmem>>, %arg12: memref<!tpu.dma_semaphore, #tpu.memory_space<semaphore_mem>>) attributes {dimension_semantics = [#tpu.dimension_semantics<core_parallel>, #tpu.dimension_semantics<subcore_parallel>], iteration_bounds = array<i64: 2, 16>, scalar_prefetch = 0 : i64, scratch_operands = 6 : i64, tpu.core_type = #tpu.core_type<sc_vector_subcore>, window_params = [{transform_indices = #map}, {transform_indices = #map}, {transform_indices = #map1}, {transform_indices = #map1}, {transform_indices = #map}]} {
    %mul3A = arith.constant 2 : i32
    %mul3A_0 = arith.muli %arg1, %mul3A : i32
    %add3A = arith.addi %mul3A_0, %arg0 : i32
    %mul3A_1 = arith.constant 512 : i32
    %mul3A_2 = arith.muli %add3A, %mul3A_1 : i32
    "tpu.region"() ({
      %run_scoped3A = tpu.sem_alloc : memref<!tpu.dma_semaphore, #tpu.memory_space<semaphore_mem>>
      %dma_start3A_149 = tpu.memref_slice %arg2[%mul3A_2] : memref<16384xi32, #tpu.memory_space<hbm>> -> memref<512xi32, #tpu.memory_space<hbm>>
      %dma_start3A_150 = tpu.memref_slice %arg2[%mul3A_2] : memref<16384xi32, #tpu.memory_space<hbm>> -> memref<512xi32, #tpu.memory_space<hbm>>
      tpu.enqueue_dma source(%dma_start3A_150 : memref<512xi32, #tpu.memory_space<hbm>>) target(%arg7 : memref<512xi32, #tpu.memory_space<vmem>>) target_semaphore(%run_scoped3A : memref<!tpu.dma_semaphore, #tpu.memory_space<semaphore_mem>>)
      %dma_wait3A_151 = tpu.memref_slice %arg2[%mul3A_2] : memref<16384xi32, #tpu.memory_space<hbm>> -> memref<512xi32, #tpu.memory_space<hbm>>
      %dma_wait3A_152 = tpu.memref_slice %arg2[%mul3A_2] : memref<16384xi32, #tpu.memory_space<hbm>> -> memref<512xi32, #tpu.memory_space<hbm>>
      tpu.wait_dma2 semaphore(%run_scoped3A : memref<!tpu.dma_semaphore, #tpu.memory_space<semaphore_mem>>) src(%dma_wait3A_152 : memref<512xi32, #tpu.memory_space<hbm>>) dst(%arg7 : memref<512xi32, #tpu.memory_space<vmem>>)
      tpu.yield
    }) : () -> ()
    "tpu.region"() ({
      %run_scoped3A = tpu.sem_alloc : memref<!tpu.dma_semaphore, #tpu.memory_space<semaphore_mem>>
      %dma_start3A_149 = tpu.memref_slice %arg3[%mul3A_2] : memref<16384xi32, #tpu.memory_space<hbm>> -> memref<512xi32, #tpu.memory_space<hbm>>
      %dma_start3A_150 = tpu.memref_slice %arg3[%mul3A_2] : memref<16384xi32, #tpu.memory_space<hbm>> -> memref<512xi32, #tpu.memory_space<hbm>>
      tpu.enqueue_dma source(%dma_start3A_150 : memref<512xi32, #tpu.memory_space<hbm>>) target(%arg8 : memref<512xi32, #tpu.memory_space<vmem>>) target_semaphore(%run_scoped3A : memref<!tpu.dma_semaphore, #tpu.memory_space<semaphore_mem>>)
      %dma_wait3A_151 = tpu.memref_slice %arg3[%mul3A_2] : memref<16384xi32, #tpu.memory_space<hbm>> -> memref<512xi32, #tpu.memory_space<hbm>>
      %dma_wait3A_152 = tpu.memref_slice %arg3[%mul3A_2] : memref<16384xi32, #tpu.memory_space<hbm>> -> memref<512xi32, #tpu.memory_space<hbm>>
      tpu.wait_dma2 semaphore(%run_scoped3A : memref<!tpu.dma_semaphore, #tpu.memory_space<semaphore_mem>>) src(%dma_wait3A_152 : memref<512xi32, #tpu.memory_space<hbm>>) dst(%arg8 : memref<512xi32, #tpu.memory_space<vmem>>)
      tpu.yield
    }) : () -> ()
    %dma_start3A = arith.constant 0 : i32
    %dma_start3A_3 = arith.constant 0 : i32
    %dma_start3A_4 = tpu.memref_slice %arg9[%dma_start3A, %dma_start3A_3] : memref<512x32xf32, #tpu.memory_space<vmem>> -> memref<128x32xf32, #tpu.memory_space<vmem>>
    %dma_start3A_5 = arith.constant 0 : i32
    %dma_start3A_6 = tpu.memref_slice %arg7[%dma_start3A_5] : memref<512xi32, #tpu.memory_space<vmem>> -> memref<128xi32, #tpu.memory_space<vmem>>
    %dma_start3A_7 = arith.constant 0 : i32
    %dma_start3A_8 = arith.constant 0 : i32
    %dma_start3A_9 = tpu.memref_slice %arg4[%dma_start3A_7, %dma_start3A_8] : memref<1000000x32xf32, #tpu.memory_space<hbm>> -> memref<1000000x32xf32, #tpu.memory_space<hbm>>
    tpu.enqueue_indirect_dma source(%dma_start3A_9 : memref<1000000x32xf32, #tpu.memory_space<hbm>>) target(%dma_start3A_4 : memref<128x32xf32, #tpu.memory_space<vmem>>) offsets(%dma_start3A_6 : memref<128xi32, #tpu.memory_space<vmem>>) semaphore(%arg12 : memref<!tpu.dma_semaphore, #tpu.memory_space<semaphore_mem>>)
    %dma_start3A_10 = arith.constant 0 : i32
    %dma_start3A_11 = arith.constant 0 : i32
    %dma_start3A_12 = tpu.memref_slice %arg10[%dma_start3A_10, %dma_start3A_11] : memref<512x32xf32, #tpu.memory_space<vmem>> -> memref<128x32xf32, #tpu.memory_space<vmem>>
    %dma_start3A_13 = arith.constant 0 : i32
    %dma_start3A_14 = tpu.memref_slice %arg8[%dma_start3A_13] : memref<512xi32, #tpu.memory_space<vmem>> -> memref<128xi32, #tpu.memory_space<vmem>>
    %dma_start3A_15 = arith.constant 0 : i32
    %dma_start3A_16 = arith.constant 0 : i32
    %dma_start3A_17 = tpu.memref_slice %arg5[%dma_start3A_15, %dma_start3A_16] : memref<1000000x32xf32, #tpu.memory_space<hbm>> -> memref<1000000x32xf32, #tpu.memory_space<hbm>>
    tpu.enqueue_indirect_dma source(%dma_start3A_17 : memref<1000000x32xf32, #tpu.memory_space<hbm>>) target(%dma_start3A_12 : memref<128x32xf32, #tpu.memory_space<vmem>>) offsets(%dma_start3A_14 : memref<128xi32, #tpu.memory_space<vmem>>) semaphore(%arg12 : memref<!tpu.dma_semaphore, #tpu.memory_space<semaphore_mem>>)
    %dma_start3A_18 = arith.constant 128 : i32
    %dma_start3A_19 = arith.constant 0 : i32
    %dma_start3A_20 = tpu.memref_slice %arg9[%dma_start3A_18, %dma_start3A_19] : memref<512x32xf32, #tpu.memory_space<vmem>> -> memref<128x32xf32, #tpu.memory_space<vmem>>
    %dma_start3A_21 = arith.constant 128 : i32
    %dma_start3A_22 = tpu.memref_slice %arg7[%dma_start3A_21] : memref<512xi32, #tpu.memory_space<vmem>> -> memref<128xi32, #tpu.memory_space<vmem>>
    %dma_start3A_23 = arith.constant 0 : i32
    %dma_start3A_24 = arith.constant 0 : i32
    %dma_start3A_25 = tpu.memref_slice %arg4[%dma_start3A_23, %dma_start3A_24] : memref<1000000x32xf32, #tpu.memory_space<hbm>> -> memref<1000000x32xf32, #tpu.memory_space<hbm>>
    tpu.enqueue_indirect_dma source(%dma_start3A_25 : memref<1000000x32xf32, #tpu.memory_space<hbm>>) target(%dma_start3A_20 : memref<128x32xf32, #tpu.memory_space<vmem>>) offsets(%dma_start3A_22 : memref<128xi32, #tpu.memory_space<vmem>>) semaphore(%arg12 : memref<!tpu.dma_semaphore, #tpu.memory_space<semaphore_mem>>)
    %dma_start3A_26 = arith.constant 128 : i32
    %dma_start3A_27 = arith.constant 0 : i32
    %dma_start3A_28 = tpu.memref_slice %arg10[%dma_start3A_26, %dma_start3A_27] : memref<512x32xf32, #tpu.memory_space<vmem>> -> memref<128x32xf32, #tpu.memory_space<vmem>>
    %dma_start3A_29 = arith.constant 128 : i32
    %dma_start3A_30 = tpu.memref_slice %arg8[%dma_start3A_29] : memref<512xi32, #tpu.memory_space<vmem>> -> memref<128xi32, #tpu.memory_space<vmem>>
    %dma_start3A_31 = arith.constant 0 : i32
    %dma_start3A_32 = arith.constant 0 : i32
    %dma_start3A_33 = tpu.memref_slice %arg5[%dma_start3A_31, %dma_start3A_32] : memref<1000000x32xf32, #tpu.memory_space<hbm>> -> memref<1000000x32xf32, #tpu.memory_space<hbm>>
    tpu.enqueue_indirect_dma source(%dma_start3A_33 : memref<1000000x32xf32, #tpu.memory_space<hbm>>) target(%dma_start3A_28 : memref<128x32xf32, #tpu.memory_space<vmem>>) offsets(%dma_start3A_30 : memref<128xi32, #tpu.memory_space<vmem>>) semaphore(%arg12 : memref<!tpu.dma_semaphore, #tpu.memory_space<semaphore_mem>>)
    %dma_start3A_34 = arith.constant 256 : i32
    %dma_start3A_35 = arith.constant 0 : i32
    %dma_start3A_36 = tpu.memref_slice %arg9[%dma_start3A_34, %dma_start3A_35] : memref<512x32xf32, #tpu.memory_space<vmem>> -> memref<128x32xf32, #tpu.memory_space<vmem>>
    %dma_start3A_37 = arith.constant 256 : i32
    %dma_start3A_38 = tpu.memref_slice %arg7[%dma_start3A_37] : memref<512xi32, #tpu.memory_space<vmem>> -> memref<128xi32, #tpu.memory_space<vmem>>
    %dma_start3A_39 = arith.constant 0 : i32
    %dma_start3A_40 = arith.constant 0 : i32
    %dma_start3A_41 = tpu.memref_slice %arg4[%dma_start3A_39, %dma_start3A_40] : memref<1000000x32xf32, #tpu.memory_space<hbm>> -> memref<1000000x32xf32, #tpu.memory_space<hbm>>
    tpu.enqueue_indirect_dma source(%dma_start3A_41 : memref<1000000x32xf32, #tpu.memory_space<hbm>>) target(%dma_start3A_36 : memref<128x32xf32, #tpu.memory_space<vmem>>) offsets(%dma_start3A_38 : memref<128xi32, #tpu.memory_space<vmem>>) semaphore(%arg12 : memref<!tpu.dma_semaphore, #tpu.memory_space<semaphore_mem>>)
    %dma_start3A_42 = arith.constant 256 : i32
    %dma_start3A_43 = arith.constant 0 : i32
    %dma_start3A_44 = tpu.memref_slice %arg10[%dma_start3A_42, %dma_start3A_43] : memref<512x32xf32, #tpu.memory_space<vmem>> -> memref<128x32xf32, #tpu.memory_space<vmem>>
    %dma_start3A_45 = arith.constant 256 : i32
    %dma_start3A_46 = tpu.memref_slice %arg8[%dma_start3A_45] : memref<512xi32, #tpu.memory_space<vmem>> -> memref<128xi32, #tpu.memory_space<vmem>>
    %dma_start3A_47 = arith.constant 0 : i32
    %dma_start3A_48 = arith.constant 0 : i32
    %dma_start3A_49 = tpu.memref_slice %arg5[%dma_start3A_47, %dma_start3A_48] : memref<1000000x32xf32, #tpu.memory_space<hbm>> -> memref<1000000x32xf32, #tpu.memory_space<hbm>>
    tpu.enqueue_indirect_dma source(%dma_start3A_49 : memref<1000000x32xf32, #tpu.memory_space<hbm>>) target(%dma_start3A_44 : memref<128x32xf32, #tpu.memory_space<vmem>>) offsets(%dma_start3A_46 : memref<128xi32, #tpu.memory_space<vmem>>) semaphore(%arg12 : memref<!tpu.dma_semaphore, #tpu.memory_space<semaphore_mem>>)
    %dma_start3A_50 = arith.constant 384 : i32
    %dma_start3A_51 = arith.constant 0 : i32
    %dma_start3A_52 = tpu.memref_slice %arg9[%dma_start3A_50, %dma_start3A_51] : memref<512x32xf32, #tpu.memory_space<vmem>> -> memref<128x32xf32, #tpu.memory_space<vmem>>
    %dma_start3A_53 = arith.constant 384 : i32
    %dma_start3A_54 = tpu.memref_slice %arg7[%dma_start3A_53] : memref<512xi32, #tpu.memory_space<vmem>> -> memref<128xi32, #tpu.memory_space<vmem>>
    %dma_start3A_55 = arith.constant 0 : i32
    %dma_start3A_56 = arith.constant 0 : i32
    %dma_start3A_57 = tpu.memref_slice %arg4[%dma_start3A_55, %dma_start3A_56] : memref<1000000x32xf32, #tpu.memory_space<hbm>> -> memref<1000000x32xf32, #tpu.memory_space<hbm>>
    tpu.enqueue_indirect_dma source(%dma_start3A_57 : memref<1000000x32xf32, #tpu.memory_space<hbm>>) target(%dma_start3A_52 : memref<128x32xf32, #tpu.memory_space<vmem>>) offsets(%dma_start3A_54 : memref<128xi32, #tpu.memory_space<vmem>>) semaphore(%arg12 : memref<!tpu.dma_semaphore, #tpu.memory_space<semaphore_mem>>)
    %dma_start3A_58 = arith.constant 384 : i32
    %dma_start3A_59 = arith.constant 0 : i32
    %dma_start3A_60 = tpu.memref_slice %arg10[%dma_start3A_58, %dma_start3A_59] : memref<512x32xf32, #tpu.memory_space<vmem>> -> memref<128x32xf32, #tpu.memory_space<vmem>>
    %dma_start3A_61 = arith.constant 384 : i32
    %dma_start3A_62 = tpu.memref_slice %arg8[%dma_start3A_61] : memref<512xi32, #tpu.memory_space<vmem>> -> memref<128xi32, #tpu.memory_space<vmem>>
    %dma_start3A_63 = arith.constant 0 : i32
    %dma_start3A_64 = arith.constant 0 : i32
    %dma_start3A_65 = tpu.memref_slice %arg5[%dma_start3A_63, %dma_start3A_64] : memref<1000000x32xf32, #tpu.memory_space<hbm>> -> memref<1000000x32xf32, #tpu.memory_space<hbm>>
    tpu.enqueue_indirect_dma source(%dma_start3A_65 : memref<1000000x32xf32, #tpu.memory_space<hbm>>) target(%dma_start3A_60 : memref<128x32xf32, #tpu.memory_space<vmem>>) offsets(%dma_start3A_62 : memref<128xi32, #tpu.memory_space<vmem>>) semaphore(%arg12 : memref<!tpu.dma_semaphore, #tpu.memory_space<semaphore_mem>>)
    %dma_wait3A = arith.constant 0 : i32
    %dma_wait3A_66 = arith.constant 0 : i32
    %dma_wait3A_67 = tpu.memref_slice %arg9[%dma_wait3A, %dma_wait3A_66] : memref<512x32xf32, #tpu.memory_space<vmem>> -> memref<128x32xf32, #tpu.memory_space<vmem>>
    %dma_wait3A_68 = arith.constant 0 : i32
    %dma_wait3A_69 = tpu.memref_slice %arg7[%dma_wait3A_68] : memref<512xi32, #tpu.memory_space<vmem>> -> memref<128xi32, #tpu.memory_space<vmem>>
    %dma_wait3A_70 = arith.constant 0 : i32
    %dma_wait3A_71 = arith.constant 0 : i32
    %dma_wait3A_72 = tpu.memref_slice %arg4[%dma_wait3A_70, %dma_wait3A_71] : memref<1000000x32xf32, #tpu.memory_space<hbm>> -> memref<1000000x32xf32, #tpu.memory_space<hbm>>
    tpu.wait_indirect_dma semaphore(%arg12 : memref<!tpu.dma_semaphore, #tpu.memory_space<semaphore_mem>>) src(%dma_wait3A_72 : memref<1000000x32xf32, #tpu.memory_space<hbm>>) dst(%dma_wait3A_67 : memref<128x32xf32, #tpu.memory_space<vmem>>)
    %dma_wait3A_73 = arith.constant 0 : i32
    %dma_wait3A_74 = arith.constant 0 : i32
    %dma_wait3A_75 = tpu.memref_slice %arg10[%dma_wait3A_73, %dma_wait3A_74] : memref<512x32xf32, #tpu.memory_space<vmem>> -> memref<128x32xf32, #tpu.memory_space<vmem>>
    %dma_wait3A_76 = arith.constant 0 : i32
    %dma_wait3A_77 = tpu.memref_slice %arg8[%dma_wait3A_76] : memref<512xi32, #tpu.memory_space<vmem>> -> memref<128xi32, #tpu.memory_space<vmem>>
    %dma_wait3A_78 = arith.constant 0 : i32
    %dma_wait3A_79 = arith.constant 0 : i32
    %dma_wait3A_80 = tpu.memref_slice %arg5[%dma_wait3A_78, %dma_wait3A_79] : memref<1000000x32xf32, #tpu.memory_space<hbm>> -> memref<1000000x32xf32, #tpu.memory_space<hbm>>
    tpu.wait_indirect_dma semaphore(%arg12 : memref<!tpu.dma_semaphore, #tpu.memory_space<semaphore_mem>>) src(%dma_wait3A_80 : memref<1000000x32xf32, #tpu.memory_space<hbm>>) dst(%dma_wait3A_75 : memref<128x32xf32, #tpu.memory_space<vmem>>)
    %dma_wait3A_81 = arith.constant 128 : i32
    %dma_wait3A_82 = arith.constant 0 : i32
    %dma_wait3A_83 = tpu.memref_slice %arg9[%dma_wait3A_81, %dma_wait3A_82] : memref<512x32xf32, #tpu.memory_space<vmem>> -> memref<128x32xf32, #tpu.memory_space<vmem>>
    %dma_wait3A_84 = arith.constant 128 : i32
    %dma_wait3A_85 = tpu.memref_slice %arg7[%dma_wait3A_84] : memref<512xi32, #tpu.memory_space<vmem>> -> memref<128xi32, #tpu.memory_space<vmem>>
    %dma_wait3A_86 = arith.constant 0 : i32
    %dma_wait3A_87 = arith.constant 0 : i32
    %dma_wait3A_88 = tpu.memref_slice %arg4[%dma_wait3A_86, %dma_wait3A_87] : memref<1000000x32xf32, #tpu.memory_space<hbm>> -> memref<1000000x32xf32, #tpu.memory_space<hbm>>
    tpu.wait_indirect_dma semaphore(%arg12 : memref<!tpu.dma_semaphore, #tpu.memory_space<semaphore_mem>>) src(%dma_wait3A_88 : memref<1000000x32xf32, #tpu.memory_space<hbm>>) dst(%dma_wait3A_83 : memref<128x32xf32, #tpu.memory_space<vmem>>)
    %dma_wait3A_89 = arith.constant 128 : i32
    %dma_wait3A_90 = arith.constant 0 : i32
    %dma_wait3A_91 = tpu.memref_slice %arg10[%dma_wait3A_89, %dma_wait3A_90] : memref<512x32xf32, #tpu.memory_space<vmem>> -> memref<128x32xf32, #tpu.memory_space<vmem>>
    %dma_wait3A_92 = arith.constant 128 : i32
    %dma_wait3A_93 = tpu.memref_slice %arg8[%dma_wait3A_92] : memref<512xi32, #tpu.memory_space<vmem>> -> memref<128xi32, #tpu.memory_space<vmem>>
    %dma_wait3A_94 = arith.constant 0 : i32
    %dma_wait3A_95 = arith.constant 0 : i32
    %dma_wait3A_96 = tpu.memref_slice %arg5[%dma_wait3A_94, %dma_wait3A_95] : memref<1000000x32xf32, #tpu.memory_space<hbm>> -> memref<1000000x32xf32, #tpu.memory_space<hbm>>
    tpu.wait_indirect_dma semaphore(%arg12 : memref<!tpu.dma_semaphore, #tpu.memory_space<semaphore_mem>>) src(%dma_wait3A_96 : memref<1000000x32xf32, #tpu.memory_space<hbm>>) dst(%dma_wait3A_91 : memref<128x32xf32, #tpu.memory_space<vmem>>)
    %dma_wait3A_97 = arith.constant 256 : i32
    %dma_wait3A_98 = arith.constant 0 : i32
    %dma_wait3A_99 = tpu.memref_slice %arg9[%dma_wait3A_97, %dma_wait3A_98] : memref<512x32xf32, #tpu.memory_space<vmem>> -> memref<128x32xf32, #tpu.memory_space<vmem>>
    %dma_wait3A_100 = arith.constant 256 : i32
    %dma_wait3A_101 = tpu.memref_slice %arg7[%dma_wait3A_100] : memref<512xi32, #tpu.memory_space<vmem>> -> memref<128xi32, #tpu.memory_space<vmem>>
    %dma_wait3A_102 = arith.constant 0 : i32
    %dma_wait3A_103 = arith.constant 0 : i32
    %dma_wait3A_104 = tpu.memref_slice %arg4[%dma_wait3A_102, %dma_wait3A_103] : memref<1000000x32xf32, #tpu.memory_space<hbm>> -> memref<1000000x32xf32, #tpu.memory_space<hbm>>
    tpu.wait_indirect_dma semaphore(%arg12 : memref<!tpu.dma_semaphore, #tpu.memory_space<semaphore_mem>>) src(%dma_wait3A_104 : memref<1000000x32xf32, #tpu.memory_space<hbm>>) dst(%dma_wait3A_99 : memref<128x32xf32, #tpu.memory_space<vmem>>)
    %dma_wait3A_105 = arith.constant 256 : i32
    %dma_wait3A_106 = arith.constant 0 : i32
    %dma_wait3A_107 = tpu.memref_slice %arg10[%dma_wait3A_105, %dma_wait3A_106] : memref<512x32xf32, #tpu.memory_space<vmem>> -> memref<128x32xf32, #tpu.memory_space<vmem>>
    %dma_wait3A_108 = arith.constant 256 : i32
    %dma_wait3A_109 = tpu.memref_slice %arg8[%dma_wait3A_108] : memref<512xi32, #tpu.memory_space<vmem>> -> memref<128xi32, #tpu.memory_space<vmem>>
    %dma_wait3A_110 = arith.constant 0 : i32
    %dma_wait3A_111 = arith.constant 0 : i32
    %dma_wait3A_112 = tpu.memref_slice %arg5[%dma_wait3A_110, %dma_wait3A_111] : memref<1000000x32xf32, #tpu.memory_space<hbm>> -> memref<1000000x32xf32, #tpu.memory_space<hbm>>
    tpu.wait_indirect_dma semaphore(%arg12 : memref<!tpu.dma_semaphore, #tpu.memory_space<semaphore_mem>>) src(%dma_wait3A_112 : memref<1000000x32xf32, #tpu.memory_space<hbm>>) dst(%dma_wait3A_107 : memref<128x32xf32, #tpu.memory_space<vmem>>)
    %dma_wait3A_113 = arith.constant 384 : i32
    %dma_wait3A_114 = arith.constant 0 : i32
    %dma_wait3A_115 = tpu.memref_slice %arg9[%dma_wait3A_113, %dma_wait3A_114] : memref<512x32xf32, #tpu.memory_space<vmem>> -> memref<128x32xf32, #tpu.memory_space<vmem>>
    %dma_wait3A_116 = arith.constant 384 : i32
    %dma_wait3A_117 = tpu.memref_slice %arg7[%dma_wait3A_116] : memref<512xi32, #tpu.memory_space<vmem>> -> memref<128xi32, #tpu.memory_space<vmem>>
    %dma_wait3A_118 = arith.constant 0 : i32
    %dma_wait3A_119 = arith.constant 0 : i32
    %dma_wait3A_120 = tpu.memref_slice %arg4[%dma_wait3A_118, %dma_wait3A_119] : memref<1000000x32xf32, #tpu.memory_space<hbm>> -> memref<1000000x32xf32, #tpu.memory_space<hbm>>
    tpu.wait_indirect_dma semaphore(%arg12 : memref<!tpu.dma_semaphore, #tpu.memory_space<semaphore_mem>>) src(%dma_wait3A_120 : memref<1000000x32xf32, #tpu.memory_space<hbm>>) dst(%dma_wait3A_115 : memref<128x32xf32, #tpu.memory_space<vmem>>)
    %dma_wait3A_121 = arith.constant 384 : i32
    %dma_wait3A_122 = arith.constant 0 : i32
    %dma_wait3A_123 = tpu.memref_slice %arg10[%dma_wait3A_121, %dma_wait3A_122] : memref<512x32xf32, #tpu.memory_space<vmem>> -> memref<128x32xf32, #tpu.memory_space<vmem>>
    %dma_wait3A_124 = arith.constant 384 : i32
    %dma_wait3A_125 = tpu.memref_slice %arg8[%dma_wait3A_124] : memref<512xi32, #tpu.memory_space<vmem>> -> memref<128xi32, #tpu.memory_space<vmem>>
    %dma_wait3A_126 = arith.constant 0 : i32
    %dma_wait3A_127 = arith.constant 0 : i32
    %dma_wait3A_128 = tpu.memref_slice %arg5[%dma_wait3A_126, %dma_wait3A_127] : memref<1000000x32xf32, #tpu.memory_space<hbm>> -> memref<1000000x32xf32, #tpu.memory_space<hbm>>
    tpu.wait_indirect_dma semaphore(%arg12 : memref<!tpu.dma_semaphore, #tpu.memory_space<semaphore_mem>>) src(%dma_wait3A_128 : memref<1000000x32xf32, #tpu.memory_space<hbm>>) dst(%dma_wait3A_123 : memref<128x32xf32, #tpu.memory_space<vmem>>)
    %iota3A = tpu.iota {dimensions = array<i32: 0>} : vector<16xi32>
    %iota3A_129 = tpu.iota {dimensions = array<i32: 0>} : vector<16xi32>
    %xor3A = arith.constant 1 : i32
    %xor3A_130 = vector.broadcast %xor3A : i32 to vector<16xi32>
    %xor3A_131 = arith.xori %iota3A_129, %xor3A_130 : vector<16xi32>
    %iota3A_132 = tpu.iota {dimensions = array<i32: 0>} : vector<16xi32>
    %xor3A_133 = arith.constant 2 : i32
    %xor3A_134 = vector.broadcast %xor3A_133 : i32 to vector<16xi32>
    %xor3A_135 = arith.xori %iota3A_132, %xor3A_134 : vector<16xi32>
    %iota3A_136 = tpu.iota {dimensions = array<i32: 0>} : vector<16xi32>
    %xor3A_137 = arith.constant 4 : i32
    %xor3A_138 = vector.broadcast %xor3A_137 : i32 to vector<16xi32>
    %xor3A_139 = arith.xori %iota3A_136, %xor3A_138 : vector<16xi32>
    %iota3A_140 = tpu.iota {dimensions = array<i32: 0>} : vector<16xi32>
    %xor3A_141 = arith.constant 8 : i32
    %xor3A_142 = vector.broadcast %xor3A_141 : i32 to vector<16xi32>
    %xor3A_143 = arith.xori %iota3A_140, %xor3A_142 : vector<16xi32>
    %scan3A = arith.constant 0 : i32
    %scan3A_144 = arith.constant 0 : i32
    %scan3A_145 = arith.constant 32 : i32
    %scan3A_146 = arith.addi %scan3A_144, %scan3A_145 : i32
    %scan3A_147 = arith.constant 1 : i32
    scf.for %scan3A_149 = %scan3A_144 to %scan3A_146 step %scan3A_147  : i32 {
      %mul3A_150 = arith.constant 16 : i32
      %mul3A_151 = arith.muli %scan3A_149, %mul3A_150 : i32
      %broadcast_in_dim3A = arith.constant 0.000000e+00 : f32
      %broadcast_in_dim3A_152 = vector.broadcast %broadcast_in_dim3A : f32 to vector<16xf32>
      %add3A_153 = arith.constant 0 : i32
      %add3A_154 = arith.addi %mul3A_151, %add3A_153 : i32
      %get3A = arith.index_cast %add3A_154 : i32 to index
      %get3A_155 = arith.constant 0 : index
      %get3A_156 = tpu.vector_load %arg9[%get3A, %get3A_155] {strides = array<i32>} : memref<512x32xf32, #tpu.memory_space<vmem>>, vector<1x16xf32>,
      %get3A_157 = vector.shape_cast %get3A_156 : vector<1x16xf32> to vector<16xf32>
      %get3A_158 = arith.index_cast %add3A_154 : i32 to index
      %get3A_159 = arith.constant 16 : index
      %get3A_160 = tpu.vector_load %arg9[%get3A_158, %get3A_159] {strides = array<i32>} : memref<512x32xf32, #tpu.memory_space<vmem>>, vector<1x16xf32>,
      %get3A_161 = vector.shape_cast %get3A_160 : vector<1x16xf32> to vector<16xf32>
      %get3A_162 = arith.index_cast %add3A_154 : i32 to index
      %get3A_163 = arith.constant 0 : index
      %get3A_164 = tpu.vector_load %arg10[%get3A_162, %get3A_163] {strides = array<i32>} : memref<512x32xf32, #tpu.memory_space<vmem>>, vector<1x16xf32>,
      %get3A_165 = vector.shape_cast %get3A_164 : vector<1x16xf32> to vector<16xf32>
      %get3A_166 = arith.index_cast %add3A_154 : i32 to index
      %get3A_167 = arith.constant 16 : index
      %get3A_168 = tpu.vector_load %arg10[%get3A_166, %get3A_167] {strides = array<i32>} : memref<512x32xf32, #tpu.memory_space<vmem>>, vector<1x16xf32>,
      %get3A_169 = vector.shape_cast %get3A_168 : vector<1x16xf32> to vector<16xf32>
      %mul3A_170 = arith.mulf %get3A_157, %get3A_165 : vector<16xf32>
      %mul3A_171 = arith.mulf %get3A_161, %get3A_169 : vector<16xf32>
      %add3A_172 = arith.addf %mul3A_170, %mul3A_171 : vector<16xf32>
      %broadcast_in_dim3A_173 = vector.shape_cast %xor3A_131 : vector<16xi32> to vector<16x1xi32>
      %gather3A = vector.shape_cast %broadcast_in_dim3A_173 : vector<16x1xi32> to vector<16xi32>
      %gather3A_174 = tpu.dynamic_gather %add3A_172[%gather3A] in [0] : vector<16xf32>, vector<16xi32> -> vector<16xf32>
      %add3A_175 = arith.addf %add3A_172, %gather3A_174 : vector<16xf32>
      %broadcast_in_dim3A_176 = vector.shape_cast %xor3A_135 : vector<16xi32> to vector<16x1xi32>
      %gather3A_177 = vector.shape_cast %broadcast_in_dim3A_176 : vector<16x1xi32> to vector<16xi32>
      %gather3A_178 = tpu.dynamic_gather %add3A_175[%gather3A_177] in [0] : vector<16xf32>, vector<16xi32> -> vector<16xf32>
      %add3A_179 = arith.addf %add3A_175, %gather3A_178 : vector<16xf32>
      %broadcast_in_dim3A_180 = vector.shape_cast %xor3A_139 : vector<16xi32> to vector<16x1xi32>
      %gather3A_181 = vector.shape_cast %broadcast_in_dim3A_180 : vector<16x1xi32> to vector<16xi32>
      %gather3A_182 = tpu.dynamic_gather %add3A_179[%gather3A_181] in [0] : vector<16xf32>, vector<16xi32> -> vector<16xf32>
      %add3A_183 = arith.addf %add3A_179, %gather3A_182 : vector<16xf32>
      %broadcast_in_dim3A_184 = vector.shape_cast %xor3A_143 : vector<16xi32> to vector<16x1xi32>
      %gather3A_185 = vector.shape_cast %broadcast_in_dim3A_184 : vector<16x1xi32> to vector<16xi32>
      %gather3A_186 = tpu.dynamic_gather %add3A_183[%gather3A_185] in [0] : vector<16xf32>, vector<16xi32> -> vector<16xf32>
      %add3A_187 = arith.addf %add3A_183, %gather3A_186 : vector<16xf32>
      %eq3A = arith.constant 0 : i32
      %eq3A_188 = vector.broadcast %eq3A : i32 to vector<16xi32>
      %eq3A_189 = arith.cmpi eq, %iota3A, %eq3A_188 : vector<16xi32>
      %select_n3A = arith.select %eq3A_189, %add3A_187, %broadcast_in_dim3A_152 : vector<16xi1>, vector<16xf32>
      %add3A_190 = arith.constant 1 : i32
      %add3A_191 = arith.addi %mul3A_151, %add3A_190 : i32
      %get3A_192 = arith.index_cast %add3A_191 : i32 to index
      %get3A_193 = arith.constant 0 : index
      %get3A_194 = tpu.vector_load %arg9[%get3A_192, %get3A_193] {strides = array<i32>} : memref<512x32xf32, #tpu.memory_space<vmem>>, vector<1x16xf32>,
      %get3A_195 = vector.shape_cast %get3A_194 : vector<1x16xf32> to vector<16xf32>
      %get3A_196 = arith.index_cast %add3A_191 : i32 to index
      %get3A_197 = arith.constant 16 : index
      %get3A_198 = tpu.vector_load %arg9[%get3A_196, %get3A_197] {strides = array<i32>} : memref<512x32xf32, #tpu.memory_space<vmem>>, vector<1x16xf32>,
      %get3A_199 = vector.shape_cast %get3A_198 : vector<1x16xf32> to vector<16xf32>
      %get3A_200 = arith.index_cast %add3A_191 : i32 to index
      %get3A_201 = arith.constant 0 : index
      %get3A_202 = tpu.vector_load %arg10[%get3A_200, %get3A_201] {strides = array<i32>} : memref<512x32xf32, #tpu.memory_space<vmem>>, vector<1x16xf32>,
      %get3A_203 = vector.shape_cast %get3A_202 : vector<1x16xf32> to vector<16xf32>
      %get3A_204 = arith.index_cast %add3A_191 : i32 to index
      %get3A_205 = arith.constant 16 : index
      %get3A_206 = tpu.vector_load %arg10[%get3A_204, %get3A_205] {strides = array<i32>} : memref<512x32xf32, #tpu.memory_space<vmem>>, vector<1x16xf32>,
      %get3A_207 = vector.shape_cast %get3A_206 : vector<1x16xf32> to vector<16xf32>
      %mul3A_208 = arith.mulf %get3A_195, %get3A_203 : vector<16xf32>
      %mul3A_209 = arith.mulf %get3A_199, %get3A_207 : vector<16xf32>
      %add3A_210 = arith.addf %mul3A_208, %mul3A_209 : vector<16xf32>
      %broadcast_in_dim3A_211 = vector.shape_cast %xor3A_131 : vector<16xi32> to vector<16x1xi32>
      %gather3A_212 = vector.shape_cast %broadcast_in_dim3A_211 : vector<16x1xi32> to vector<16xi32>
      %gather3A_213 = tpu.dynamic_gather %add3A_210[%gather3A_212] in [0] : vector<16xf32>, vector<16xi32> -> vector<16xf32>
      %add3A_214 = arith.addf %add3A_210, %gather3A_213 : vector<16xf32>
      %broadcast_in_dim3A_215 = vector.shape_cast %xor3A_135 : vector<16xi32> to vector<16x1xi32>
      %gather3A_216 = vector.shape_cast %broadcast_in_dim3A_215 : vector<16x1xi32> to vector<16xi32>
      %gather3A_217 = tpu.dynamic_gather %add3A_214[%gather3A_216] in [0] : vector<16xf32>, vector<16xi32> -> vector<16xf32>
      %add3A_218 = arith.addf %add3A_214, %gather3A_217 : vector<16xf32>
      %broadcast_in_dim3A_219 = vector.shape_cast %xor3A_139 : vector<16xi32> to vector<16x1xi32>
      %gather3A_220 = vector.shape_cast %broadcast_in_dim3A_219 : vector<16x1xi32> to vector<16xi32>
      %gather3A_221 = tpu.dynamic_gather %add3A_218[%gather3A_220] in [0] : vector<16xf32>, vector<16xi32> -> vector<16xf32>
      %add3A_222 = arith.addf %add3A_218, %gather3A_221 : vector<16xf32>
      %broadcast_in_dim3A_223 = vector.shape_cast %xor3A_143 : vector<16xi32> to vector<16x1xi32>
      %gather3A_224 = vector.shape_cast %broadcast_in_dim3A_223 : vector<16x1xi32> to vector<16xi32>
      %gather3A_225 = tpu.dynamic_gather %add3A_222[%gather3A_224] in [0] : vector<16xf32>, vector<16xi32> -> vector<16xf32>
      %add3A_226 = arith.addf %add3A_222, %gather3A_225 : vector<16xf32>
      %eq3A_227 = arith.constant 1 : i32
      %eq3A_228 = vector.broadcast %eq3A_227 : i32 to vector<16xi32>
      %eq3A_229 = arith.cmpi eq, %iota3A, %eq3A_228 : vector<16xi32>
      %select_n3A_230 = arith.select %eq3A_229, %add3A_226, %select_n3A : vector<16xi1>, vector<16xf32>
      %add3A_231 = arith.constant 2 : i32
      %add3A_232 = arith.addi %mul3A_151, %add3A_231 : i32
      %get3A_233 = arith.index_cast %add3A_232 : i32 to index
      %get3A_234 = arith.constant 0 : index
      %get3A_235 = tpu.vector_load %arg9[%get3A_233, %get3A_234] {strides = array<i32>} : memref<512x32xf32, #tpu.memory_space<vmem>>, vector<1x16xf32>,
      %get3A_236 = vector.shape_cast %get3A_235 : vector<1x16xf32> to vector<16xf32>
      %get3A_237 = arith.index_cast %add3A_232 : i32 to index
      %get3A_238 = arith.constant 16 : index
      %get3A_239 = tpu.vector_load %arg9[%get3A_237, %get3A_238] {strides = array<i32>} : memref<512x32xf32, #tpu.memory_space<vmem>>, vector<1x16xf32>,
      %get3A_240 = vector.shape_cast %get3A_239 : vector<1x16xf32> to vector<16xf32>
      %get3A_241 = arith.index_cast %add3A_232 : i32 to index
      %get3A_242 = arith.constant 0 : index
      %get3A_243 = tpu.vector_load %arg10[%get3A_241, %get3A_242] {strides = array<i32>} : memref<512x32xf32, #tpu.memory_space<vmem>>, vector<1x16xf32>,
      %get3A_244 = vector.shape_cast %get3A_243 : vector<1x16xf32> to vector<16xf32>
      %get3A_245 = arith.index_cast %add3A_232 : i32 to index
      %get3A_246 = arith.constant 16 : index
      %get3A_247 = tpu.vector_load %arg10[%get3A_245, %get3A_246] {strides = array<i32>} : memref<512x32xf32, #tpu.memory_space<vmem>>, vector<1x16xf32>,
      %get3A_248 = vector.shape_cast %get3A_247 : vector<1x16xf32> to vector<16xf32>
      %mul3A_249 = arith.mulf %get3A_236, %get3A_244 : vector<16xf32>
      %mul3A_250 = arith.mulf %get3A_240, %get3A_248 : vector<16xf32>
      %add3A_251 = arith.addf %mul3A_249, %mul3A_250 : vector<16xf32>
      %broadcast_in_dim3A_252 = vector.shape_cast %xor3A_131 : vector<16xi32> to vector<16x1xi32>
      %gather3A_253 = vector.shape_cast %broadcast_in_dim3A_252 : vector<16x1xi32> to vector<16xi32>
      %gather3A_254 = tpu.dynamic_gather %add3A_251[%gather3A_253] in [0] : vector<16xf32>, vector<16xi32> -> vector<16xf32>
      %add3A_255 = arith.addf %add3A_251, %gather3A_254 : vector<16xf32>
      %broadcast_in_dim3A_256 = vector.shape_cast %xor3A_135 : vector<16xi32> to vector<16x1xi32>
      %gather3A_257 = vector.shape_cast %broadcast_in_dim3A_256 : vector<16x1xi32> to vector<16xi32>
      %gather3A_258 = tpu.dynamic_gather %add3A_255[%gather3A_257] in [0] : vector<16xf32>, vector<16xi32> -> vector<16xf32>
      %add3A_259 = arith.addf %add3A_255, %gather3A_258 : vector<16xf32>
      %broadcast_in_dim3A_260 = vector.shape_cast %xor3A_139 : vector<16xi32> to vector<16x1xi32>
      %gather3A_261 = vector.shape_cast %broadcast_in_dim3A_260 : vector<16x1xi32> to vector<16xi32>
      %gather3A_262 = tpu.dynamic_gather %add3A_259[%gather3A_261] in [0] : vector<16xf32>, vector<16xi32> -> vector<16xf32>
      %add3A_263 = arith.addf %add3A_259, %gather3A_262 : vector<16xf32>
      %broadcast_in_dim3A_264 = vector.shape_cast %xor3A_143 : vector<16xi32> to vector<16x1xi32>
      %gather3A_265 = vector.shape_cast %broadcast_in_dim3A_264 : vector<16x1xi32> to vector<16xi32>
      %gather3A_266 = tpu.dynamic_gather %add3A_263[%gather3A_265] in [0] : vector<16xf32>, vector<16xi32> -> vector<16xf32>
      %add3A_267 = arith.addf %add3A_263, %gather3A_266 : vector<16xf32>
      %eq3A_268 = arith.constant 2 : i32
      %eq3A_269 = vector.broadcast %eq3A_268 : i32 to vector<16xi32>
      %eq3A_270 = arith.cmpi eq, %iota3A, %eq3A_269 : vector<16xi32>
      %select_n3A_271 = arith.select %eq3A_270, %add3A_267, %select_n3A_230 : vector<16xi1>, vector<16xf32>
      %add3A_272 = arith.constant 3 : i32
      %add3A_273 = arith.addi %mul3A_151, %add3A_272 : i32
      %get3A_274 = arith.index_cast %add3A_273 : i32 to index
      %get3A_275 = arith.constant 0 : index
      %get3A_276 = tpu.vector_load %arg9[%get3A_274, %get3A_275] {strides = array<i32>} : memref<512x32xf32, #tpu.memory_space<vmem>>, vector<1x16xf32>,
      %get3A_277 = vector.shape_cast %get3A_276 : vector<1x16xf32> to vector<16xf32>
      %get3A_278 = arith.index_cast %add3A_273 : i32 to index
      %get3A_279 = arith.constant 16 : index
      %get3A_280 = tpu.vector_load %arg9[%get3A_278, %get3A_279] {strides = array<i32>} : memref<512x32xf32, #tpu.memory_space<vmem>>, vector<1x16xf32>,
      %get3A_281 = vector.shape_cast %get3A_280 : vector<1x16xf32> to vector<16xf32>
      %get3A_282 = arith.index_cast %add3A_273 : i32 to index
      %get3A_283 = arith.constant 0 : index
      %get3A_284 = tpu.vector_load %arg10[%get3A_282, %get3A_283] {strides = array<i32>} : memref<512x32xf32, #tpu.memory_space<vmem>>, vector<1x16xf32>,
      %get3A_285 = vector.shape_cast %get3A_284 : vector<1x16xf32> to vector<16xf32>
      %get3A_286 = arith.index_cast %add3A_273 : i32 to index
      %get3A_287 = arith.constant 16 : index
      %get3A_288 = tpu.vector_load %arg10[%get3A_286, %get3A_287] {strides = array<i32>} : memref<512x32xf32, #tpu.memory_space<vmem>>, vector<1x16xf32>,
      %get3A_289 = vector.shape_cast %get3A_288 : vector<1x16xf32> to vector<16xf32>
      %mul3A_290 = arith.mulf %get3A_277, %get3A_285 : vector<16xf32>
      %mul3A_291 = arith.mulf %get3A_281, %get3A_289 : vector<16xf32>
      %add3A_292 = arith.addf %mul3A_290, %mul3A_291 : vector<16xf32>
      %broadcast_in_dim3A_293 = vector.shape_cast %xor3A_131 : vector<16xi32> to vector<16x1xi32>
      %gather3A_294 = vector.shape_cast %broadcast_in_dim3A_293 : vector<16x1xi32> to vector<16xi32>
      %gather3A_295 = tpu.dynamic_gather %add3A_292[%gather3A_294] in [0] : vector<16xf32>, vector<16xi32> -> vector<16xf32>
      %add3A_296 = arith.addf %add3A_292, %gather3A_295 : vector<16xf32>
      %broadcast_in_dim3A_297 = vector.shape_cast %xor3A_135 : vector<16xi32> to vector<16x1xi32>
      %gather3A_298 = vector.shape_cast %broadcast_in_dim3A_297 : vector<16x1xi32> to vector<16xi32>
      %gather3A_299 = tpu.dynamic_gather %add3A_296[%gather3A_298] in [0] : vector<16xf32>, vector<16xi32> -> vector<16xf32>
      %add3A_300 = arith.addf %add3A_296, %gather3A_299 : vector<16xf32>
      %broadcast_in_dim3A_301 = vector.shape_cast %xor3A_139 : vector<16xi32> to vector<16x1xi32>
      %gather3A_302 = vector.shape_cast %broadcast_in_dim3A_301 : vector<16x1xi32> to vector<16xi32>
      %gather3A_303 = tpu.dynamic_gather %add3A_300[%gather3A_302] in [0] : vector<16xf32>, vector<16xi32> -> vector<16xf32>
      %add3A_304 = arith.addf %add3A_300, %gather3A_303 : vector<16xf32>
      %broadcast_in_dim3A_305 = vector.shape_cast %xor3A_143 : vector<16xi32> to vector<16x1xi32>
      %gather3A_306 = vector.shape_cast %broadcast_in_dim3A_305 : vector<16x1xi32> to vector<16xi32>
      %gather3A_307 = tpu.dynamic_gather %add3A_304[%gather3A_306] in [0] : vector<16xf32>, vector<16xi32> -> vector<16xf32>
      %add3A_308 = arith.addf %add3A_304, %gather3A_307 : vector<16xf32>
      %eq3A_309 = arith.constant 3 : i32
      %eq3A_310 = vector.broadcast %eq3A_309 : i32 to vector<16xi32>
      %eq3A_311 = arith.cmpi eq, %iota3A, %eq3A_310 : vector<16xi32>
      %select_n3A_312 = arith.select %eq3A_311, %add3A_308, %select_n3A_271 : vector<16xi1>, vector<16xf32>
      %add3A_313 = arith.constant 4 : i32
      %add3A_314 = arith.addi %mul3A_151, %add3A_313 : i32
      %get3A_315 = arith.index_cast %add3A_314 : i32 to index
      %get3A_316 = arith.constant 0 : index
      %get3A_317 = tpu.vector_load %arg9[%get3A_315, %get3A_316] {strides = array<i32>} : memref<512x32xf32, #tpu.memory_space<vmem>>, vector<1x16xf32>,
      %get3A_318 = vector.shape_cast %get3A_317 : vector<1x16xf32> to vector<16xf32>
      %get3A_319 = arith.index_cast %add3A_314 : i32 to index
      %get3A_320 = arith.constant 16 : index
      %get3A_321 = tpu.vector_load %arg9[%get3A_319, %get3A_320] {strides = array<i32>} : memref<512x32xf32, #tpu.memory_space<vmem>>, vector<1x16xf32>,
      %get3A_322 = vector.shape_cast %get3A_321 : vector<1x16xf32> to vector<16xf32>
      %get3A_323 = arith.index_cast %add3A_314 : i32 to index
      %get3A_324 = arith.constant 0 : index
      %get3A_325 = tpu.vector_load %arg10[%get3A_323, %get3A_324] {strides = array<i32>} : memref<512x32xf32, #tpu.memory_space<vmem>>, vector<1x16xf32>,
      %get3A_326 = vector.shape_cast %get3A_325 : vector<1x16xf32> to vector<16xf32>
      %get3A_327 = arith.index_cast %add3A_314 : i32 to index
      %get3A_328 = arith.constant 16 : index
      %get3A_329 = tpu.vector_load %arg10[%get3A_327, %get3A_328] {strides = array<i32>} : memref<512x32xf32, #tpu.memory_space<vmem>>, vector<1x16xf32>,
      %get3A_330 = vector.shape_cast %get3A_329 : vector<1x16xf32> to vector<16xf32>
      %mul3A_331 = arith.mulf %get3A_318, %get3A_326 : vector<16xf32>
      %mul3A_332 = arith.mulf %get3A_322, %get3A_330 : vector<16xf32>
      %add3A_333 = arith.addf %mul3A_331, %mul3A_332 : vector<16xf32>
      %broadcast_in_dim3A_334 = vector.shape_cast %xor3A_131 : vector<16xi32> to vector<16x1xi32>
      %gather3A_335 = vector.shape_cast %broadcast_in_dim3A_334 : vector<16x1xi32> to vector<16xi32>
      %gather3A_336 = tpu.dynamic_gather %add3A_333[%gather3A_335] in [0] : vector<16xf32>, vector<16xi32> -> vector<16xf32>
      %add3A_337 = arith.addf %add3A_333, %gather3A_336 : vector<16xf32>
      %broadcast_in_dim3A_338 = vector.shape_cast %xor3A_135 : vector<16xi32> to vector<16x1xi32>
      %gather3A_339 = vector.shape_cast %broadcast_in_dim3A_338 : vector<16x1xi32> to vector<16xi32>
      %gather3A_340 = tpu.dynamic_gather %add3A_337[%gather3A_339] in [0] : vector<16xf32>, vector<16xi32> -> vector<16xf32>
      %add3A_341 = arith.addf %add3A_337, %gather3A_340 : vector<16xf32>
      %broadcast_in_dim3A_342 = vector.shape_cast %xor3A_139 : vector<16xi32> to vector<16x1xi32>
      %gather3A_343 = vector.shape_cast %broadcast_in_dim3A_342 : vector<16x1xi32> to vector<16xi32>
      %gather3A_344 = tpu.dynamic_gather %add3A_341[%gather3A_343] in [0] : vector<16xf32>, vector<16xi32> -> vector<16xf32>
      %add3A_345 = arith.addf %add3A_341, %gather3A_344 : vector<16xf32>
      %broadcast_in_dim3A_346 = vector.shape_cast %xor3A_143 : vector<16xi32> to vector<16x1xi32>
      %gather3A_347 = vector.shape_cast %broadcast_in_dim3A_346 : vector<16x1xi32> to vector<16xi32>
      %gather3A_348 = tpu.dynamic_gather %add3A_345[%gather3A_347] in [0] : vector<16xf32>, vector<16xi32> -> vector<16xf32>
      %add3A_349 = arith.addf %add3A_345, %gather3A_348 : vector<16xf32>
      %eq3A_350 = arith.constant 4 : i32
      %eq3A_351 = vector.broadcast %eq3A_350 : i32 to vector<16xi32>
      %eq3A_352 = arith.cmpi eq, %iota3A, %eq3A_351 : vector<16xi32>
      %select_n3A_353 = arith.select %eq3A_352, %add3A_349, %select_n3A_312 : vector<16xi1>, vector<16xf32>
      %add3A_354 = arith.constant 5 : i32
      %add3A_355 = arith.addi %mul3A_151, %add3A_354 : i32
      %get3A_356 = arith.index_cast %add3A_355 : i32 to index
      %get3A_357 = arith.constant 0 : index
      %get3A_358 = tpu.vector_load %arg9[%get3A_356, %get3A_357] {strides = array<i32>} : memref<512x32xf32, #tpu.memory_space<vmem>>, vector<1x16xf32>,
      %get3A_359 = vector.shape_cast %get3A_358 : vector<1x16xf32> to vector<16xf32>
      %get3A_360 = arith.index_cast %add3A_355 : i32 to index
      %get3A_361 = arith.constant 16 : index
      %get3A_362 = tpu.vector_load %arg9[%get3A_360, %get3A_361] {strides = array<i32>} : memref<512x32xf32, #tpu.memory_space<vmem>>, vector<1x16xf32>,
      %get3A_363 = vector.shape_cast %get3A_362 : vector<1x16xf32> to vector<16xf32>
      %get3A_364 = arith.index_cast %add3A_355 : i32 to index
      %get3A_365 = arith.constant 0 : index
      %get3A_366 = tpu.vector_load %arg10[%get3A_364, %get3A_365] {strides = array<i32>} : memref<512x32xf32, #tpu.memory_space<vmem>>, vector<1x16xf32>,
      %get3A_367 = vector.shape_cast %get3A_366 : vector<1x16xf32> to vector<16xf32>
      %get3A_368 = arith.index_cast %add3A_355 : i32 to index
      %get3A_369 = arith.constant 16 : index
      %get3A_370 = tpu.vector_load %arg10[%get3A_368, %get3A_369] {strides = array<i32>} : memref<512x32xf32, #tpu.memory_space<vmem>>, vector<1x16xf32>,
      %get3A_371 = vector.shape_cast %get3A_370 : vector<1x16xf32> to vector<16xf32>
      %mul3A_372 = arith.mulf %get3A_359, %get3A_367 : vector<16xf32>
      %mul3A_373 = arith.mulf %get3A_363, %get3A_371 : vector<16xf32>
      %add3A_374 = arith.addf %mul3A_372, %mul3A_373 : vector<16xf32>
      %broadcast_in_dim3A_375 = vector.shape_cast %xor3A_131 : vector<16xi32> to vector<16x1xi32>
      %gather3A_376 = vector.shape_cast %broadcast_in_dim3A_375 : vector<16x1xi32> to vector<16xi32>
      %gather3A_377 = tpu.dynamic_gather %add3A_374[%gather3A_376] in [0] : vector<16xf32>, vector<16xi32> -> vector<16xf32>
      %add3A_378 = arith.addf %add3A_374, %gather3A_377 : vector<16xf32>
      %broadcast_in_dim3A_379 = vector.shape_cast %xor3A_135 : vector<16xi32> to vector<16x1xi32>
      %gather3A_380 = vector.shape_cast %broadcast_in_dim3A_379 : vector<16x1xi32> to vector<16xi32>
      %gather3A_381 = tpu.dynamic_gather %add3A_378[%gather3A_380] in [0] : vector<16xf32>, vector<16xi32> -> vector<16xf32>
      %add3A_382 = arith.addf %add3A_378, %gather3A_381 : vector<16xf32>
      %broadcast_in_dim3A_383 = vector.shape_cast %xor3A_139 : vector<16xi32> to vector<16x1xi32>
      %gather3A_384 = vector.shape_cast %broadcast_in_dim3A_383 : vector<16x1xi32> to vector<16xi32>
      %gather3A_385 = tpu.dynamic_gather %add3A_382[%gather3A_384] in [0] : vector<16xf32>, vector<16xi32> -> vector<16xf32>
      %add3A_386 = arith.addf %add3A_382, %gather3A_385 : vector<16xf32>
      %broadcast_in_dim3A_387 = vector.shape_cast %xor3A_143 : vector<16xi32> to vector<16x1xi32>
      %gather3A_388 = vector.shape_cast %broadcast_in_dim3A_387 : vector<16x1xi32> to vector<16xi32>
      %gather3A_389 = tpu.dynamic_gather %add3A_386[%gather3A_388] in [0] : vector<16xf32>, vector<16xi32> -> vector<16xf32>
      %add3A_390 = arith.addf %add3A_386, %gather3A_389 : vector<16xf32>
      %eq3A_391 = arith.constant 5 : i32
      %eq3A_392 = vector.broadcast %eq3A_391 : i32 to vector<16xi32>
      %eq3A_393 = arith.cmpi eq, %iota3A, %eq3A_392 : vector<16xi32>
      %select_n3A_394 = arith.select %eq3A_393, %add3A_390, %select_n3A_353 : vector<16xi1>, vector<16xf32>
      %add3A_395 = arith.constant 6 : i32
      %add3A_396 = arith.addi %mul3A_151, %add3A_395 : i32
      %get3A_397 = arith.index_cast %add3A_396 : i32 to index
      %get3A_398 = arith.constant 0 : index
      %get3A_399 = tpu.vector_load %arg9[%get3A_397, %get3A_398] {strides = array<i32>} : memref<512x32xf32, #tpu.memory_space<vmem>>, vector<1x16xf32>,
      %get3A_400 = vector.shape_cast %get3A_399 : vector<1x16xf32> to vector<16xf32>
      %get3A_401 = arith.index_cast %add3A_396 : i32 to index
      %get3A_402 = arith.constant 16 : index
      %get3A_403 = tpu.vector_load %arg9[%get3A_401, %get3A_402] {strides = array<i32>} : memref<512x32xf32, #tpu.memory_space<vmem>>, vector<1x16xf32>,
      %get3A_404 = vector.shape_cast %get3A_403 : vector<1x16xf32> to vector<16xf32>
      %get3A_405 = arith.index_cast %add3A_396 : i32 to index
      %get3A_406 = arith.constant 0 : index
      %get3A_407 = tpu.vector_load %arg10[%get3A_405, %get3A_406] {strides = array<i32>} : memref<512x32xf32, #tpu.memory_space<vmem>>, vector<1x16xf32>,
      %get3A_408 = vector.shape_cast %get3A_407 : vector<1x16xf32> to vector<16xf32>
      %get3A_409 = arith.index_cast %add3A_396 : i32 to index
      %get3A_410 = arith.constant 16 : index
      %get3A_411 = tpu.vector_load %arg10[%get3A_409, %get3A_410] {strides = array<i32>} : memref<512x32xf32, #tpu.memory_space<vmem>>, vector<1x16xf32>,
      %get3A_412 = vector.shape_cast %get3A_411 : vector<1x16xf32> to vector<16xf32>
      %mul3A_413 = arith.mulf %get3A_400, %get3A_408 : vector<16xf32>
      %mul3A_414 = arith.mulf %get3A_404, %get3A_412 : vector<16xf32>
      %add3A_415 = arith.addf %mul3A_413, %mul3A_414 : vector<16xf32>
      %broadcast_in_dim3A_416 = vector.shape_cast %xor3A_131 : vector<16xi32> to vector<16x1xi32>
      %gather3A_417 = vector.shape_cast %broadcast_in_dim3A_416 : vector<16x1xi32> to vector<16xi32>
      %gather3A_418 = tpu.dynamic_gather %add3A_415[%gather3A_417] in [0] : vector<16xf32>, vector<16xi32> -> vector<16xf32>
      %add3A_419 = arith.addf %add3A_415, %gather3A_418 : vector<16xf32>
      %broadcast_in_dim3A_420 = vector.shape_cast %xor3A_135 : vector<16xi32> to vector<16x1xi32>
      %gather3A_421 = vector.shape_cast %broadcast_in_dim3A_420 : vector<16x1xi32> to vector<16xi32>
      %gather3A_422 = tpu.dynamic_gather %add3A_419[%gather3A_421] in [0] : vector<16xf32>, vector<16xi32> -> vector<16xf32>
      %add3A_423 = arith.addf %add3A_419, %gather3A_422 : vector<16xf32>
      %broadcast_in_dim3A_424 = vector.shape_cast %xor3A_139 : vector<16xi32> to vector<16x1xi32>
      %gather3A_425 = vector.shape_cast %broadcast_in_dim3A_424 : vector<16x1xi32> to vector<16xi32>
      %gather3A_426 = tpu.dynamic_gather %add3A_423[%gather3A_425] in [0] : vector<16xf32>, vector<16xi32> -> vector<16xf32>
      %add3A_427 = arith.addf %add3A_423, %gather3A_426 : vector<16xf32>
      %broadcast_in_dim3A_428 = vector.shape_cast %xor3A_143 : vector<16xi32> to vector<16x1xi32>
      %gather3A_429 = vector.shape_cast %broadcast_in_dim3A_428 : vector<16x1xi32> to vector<16xi32>
      %gather3A_430 = tpu.dynamic_gather %add3A_427[%gather3A_429] in [0] : vector<16xf32>, vector<16xi32> -> vector<16xf32>
      %add3A_431 = arith.addf %add3A_427, %gather3A_430 : vector<16xf32>
      %eq3A_432 = arith.constant 6 : i32
      %eq3A_433 = vector.broadcast %eq3A_432 : i32 to vector<16xi32>
      %eq3A_434 = arith.cmpi eq, %iota3A, %eq3A_433 : vector<16xi32>
      %select_n3A_435 = arith.select %eq3A_434, %add3A_431, %select_n3A_394 : vector<16xi1>, vector<16xf32>
      %add3A_436 = arith.constant 7 : i32
      %add3A_437 = arith.addi %mul3A_151, %add3A_436 : i32
      %get3A_438 = arith.index_cast %add3A_437 : i32 to index
      %get3A_439 = arith.constant 0 : index
      %get3A_440 = tpu.vector_load %arg9[%get3A_438, %get3A_439] {strides = array<i32>} : memref<512x32xf32, #tpu.memory_space<vmem>>, vector<1x16xf32>,
      %get3A_441 = vector.shape_cast %get3A_440 : vector<1x16xf32> to vector<16xf32>
      %get3A_442 = arith.index_cast %add3A_437 : i32 to index
      %get3A_443 = arith.constant 16 : index
      %get3A_444 = tpu.vector_load %arg9[%get3A_442, %get3A_443] {strides = array<i32>} : memref<512x32xf32, #tpu.memory_space<vmem>>, vector<1x16xf32>,
      %get3A_445 = vector.shape_cast %get3A_444 : vector<1x16xf32> to vector<16xf32>
      %get3A_446 = arith.index_cast %add3A_437 : i32 to index
      %get3A_447 = arith.constant 0 : index
      %get3A_448 = tpu.vector_load %arg10[%get3A_446, %get3A_447] {strides = array<i32>} : memref<512x32xf32, #tpu.memory_space<vmem>>, vector<1x16xf32>,
      %get3A_449 = vector.shape_cast %get3A_448 : vector<1x16xf32> to vector<16xf32>
      %get3A_450 = arith.index_cast %add3A_437 : i32 to index
      %get3A_451 = arith.constant 16 : index
      %get3A_452 = tpu.vector_load %arg10[%get3A_450, %get3A_451] {strides = array<i32>} : memref<512x32xf32, #tpu.memory_space<vmem>>, vector<1x16xf32>,
      %get3A_453 = vector.shape_cast %get3A_452 : vector<1x16xf32> to vector<16xf32>
      %mul3A_454 = arith.mulf %get3A_441, %get3A_449 : vector<16xf32>
      %mul3A_455 = arith.mulf %get3A_445, %get3A_453 : vector<16xf32>
      %add3A_456 = arith.addf %mul3A_454, %mul3A_455 : vector<16xf32>
      %broadcast_in_dim3A_457 = vector.shape_cast %xor3A_131 : vector<16xi32> to vector<16x1xi32>
      %gather3A_458 = vector.shape_cast %broadcast_in_dim3A_457 : vector<16x1xi32> to vector<16xi32>
      %gather3A_459 = tpu.dynamic_gather %add3A_456[%gather3A_458] in [0] : vector<16xf32>, vector<16xi32> -> vector<16xf32>
      %add3A_460 = arith.addf %add3A_456, %gather3A_459 : vector<16xf32>
      %broadcast_in_dim3A_461 = vector.shape_cast %xor3A_135 : vector<16xi32> to vector<16x1xi32>
      %gather3A_462 = vector.shape_cast %broadcast_in_dim3A_461 : vector<16x1xi32> to vector<16xi32>
      %gather3A_463 = tpu.dynamic_gather %add3A_460[%gather3A_462] in [0] : vector<16xf32>, vector<16xi32> -> vector<16xf32>
      %add3A_464 = arith.addf %add3A_460, %gather3A_463 : vector<16xf32>
      %broadcast_in_dim3A_465 = vector.shape_cast %xor3A_139 : vector<16xi32> to vector<16x1xi32>
      %gather3A_466 = vector.shape_cast %broadcast_in_dim3A_465 : vector<16x1xi32> to vector<16xi32>
      %gather3A_467 = tpu.dynamic_gather %add3A_464[%gather3A_466] in [0] : vector<16xf32>, vector<16xi32> -> vector<16xf32>
      %add3A_468 = arith.addf %add3A_464, %gather3A_467 : vector<16xf32>
      %broadcast_in_dim3A_469 = vector.shape_cast %xor3A_143 : vector<16xi32> to vector<16x1xi32>
      %gather3A_470 = vector.shape_cast %broadcast_in_dim3A_469 : vector<16x1xi32> to vector<16xi32>
      %gather3A_471 = tpu.dynamic_gather %add3A_468[%gather3A_470] in [0] : vector<16xf32>, vector<16xi32> -> vector<16xf32>
      %add3A_472 = arith.addf %add3A_468, %gather3A_471 : vector<16xf32>
      %eq3A_473 = arith.constant 7 : i32
      %eq3A_474 = vector.broadcast %eq3A_473 : i32 to vector<16xi32>
      %eq3A_475 = arith.cmpi eq, %iota3A, %eq3A_474 : vector<16xi32>
      %select_n3A_476 = arith.select %eq3A_475, %add3A_472, %select_n3A_435 : vector<16xi1>, vector<16xf32>
      %add3A_477 = arith.constant 8 : i32
      %add3A_478 = arith.addi %mul3A_151, %add3A_477 : i32
      %get3A_479 = arith.index_cast %add3A_478 : i32 to index
      %get3A_480 = arith.constant 0 : index
      %get3A_481 = tpu.vector_load %arg9[%get3A_479, %get3A_480] {strides = array<i32>} : memref<512x32xf32, #tpu.memory_space<vmem>>, vector<1x16xf32>,
      %get3A_482 = vector.shape_cast %get3A_481 : vector<1x16xf32> to vector<16xf32>
      %get3A_483 = arith.index_cast %add3A_478 : i32 to index
      %get3A_484 = arith.constant 16 : index
      %get3A_485 = tpu.vector_load %arg9[%get3A_483, %get3A_484] {strides = array<i32>} : memref<512x32xf32, #tpu.memory_space<vmem>>, vector<1x16xf32>,
      %get3A_486 = vector.shape_cast %get3A_485 : vector<1x16xf32> to vector<16xf32>
      %get3A_487 = arith.index_cast %add3A_478 : i32 to index
      %get3A_488 = arith.constant 0 : index
      %get3A_489 = tpu.vector_load %arg10[%get3A_487, %get3A_488] {strides = array<i32>} : memref<512x32xf32, #tpu.memory_space<vmem>>, vector<1x16xf32>,
      %get3A_490 = vector.shape_cast %get3A_489 : vector<1x16xf32> to vector<16xf32>
      %get3A_491 = arith.index_cast %add3A_478 : i32 to index
      %get3A_492 = arith.constant 16 : index
      %get3A_493 = tpu.vector_load %arg10[%get3A_491, %get3A_492] {strides = array<i32>} : memref<512x32xf32, #tpu.memory_space<vmem>>, vector<1x16xf32>,
      %get3A_494 = vector.shape_cast %get3A_493 : vector<1x16xf32> to vector<16xf32>
      %mul3A_495 = arith.mulf %get3A_482, %get3A_490 : vector<16xf32>
      %mul3A_496 = arith.mulf %get3A_486, %get3A_494 : vector<16xf32>
      %add3A_497 = arith.addf %mul3A_495, %mul3A_496 : vector<16xf32>
      %broadcast_in_dim3A_498 = vector.shape_cast %xor3A_131 : vector<16xi32> to vector<16x1xi32>
      %gather3A_499 = vector.shape_cast %broadcast_in_dim3A_498 : vector<16x1xi32> to vector<16xi32>
      %gather3A_500 = tpu.dynamic_gather %add3A_497[%gather3A_499] in [0] : vector<16xf32>, vector<16xi32> -> vector<16xf32>
      %add3A_501 = arith.addf %add3A_497, %gather3A_500 : vector<16xf32>
      %broadcast_in_dim3A_502 = vector.shape_cast %xor3A_135 : vector<16xi32> to vector<16x1xi32>
      %gather3A_503 = vector.shape_cast %broadcast_in_dim3A_502 : vector<16x1xi32> to vector<16xi32>
      %gather3A_504 = tpu.dynamic_gather %add3A_501[%gather3A_503] in [0] : vector<16xf32>, vector<16xi32> -> vector<16xf32>
      %add3A_505 = arith.addf %add3A_501, %gather3A_504 : vector<16xf32>
      %broadcast_in_dim3A_506 = vector.shape_cast %xor3A_139 : vector<16xi32> to vector<16x1xi32>
      %gather3A_507 = vector.shape_cast %broadcast_in_dim3A_506 : vector<16x1xi32> to vector<16xi32>
      %gather3A_508 = tpu.dynamic_gather %add3A_505[%gather3A_507] in [0] : vector<16xf32>, vector<16xi32> -> vector<16xf32>
      %add3A_509 = arith.addf %add3A_505, %gather3A_508 : vector<16xf32>
      %broadcast_in_dim3A_510 = vector.shape_cast %xor3A_143 : vector<16xi32> to vector<16x1xi32>
      %gather3A_511 = vector.shape_cast %broadcast_in_dim3A_510 : vector<16x1xi32> to vector<16xi32>
      %gather3A_512 = tpu.dynamic_gather %add3A_509[%gather3A_511] in [0] : vector<16xf32>, vector<16xi32> -> vector<16xf32>
      %add3A_513 = arith.addf %add3A_509, %gather3A_512 : vector<16xf32>
      %eq3A_514 = arith.constant 8 : i32
      %eq3A_515 = vector.broadcast %eq3A_514 : i32 to vector<16xi32>
      %eq3A_516 = arith.cmpi eq, %iota3A, %eq3A_515 : vector<16xi32>
      %select_n3A_517 = arith.select %eq3A_516, %add3A_513, %select_n3A_476 : vector<16xi1>, vector<16xf32>
      %add3A_518 = arith.constant 9 : i32
      %add3A_519 = arith.addi %mul3A_151, %add3A_518 : i32
      %get3A_520 = arith.index_cast %add3A_519 : i32 to index
      %get3A_521 = arith.constant 0 : index
      %get3A_522 = tpu.vector_load %arg9[%get3A_520, %get3A_521] {strides = array<i32>} : memref<512x32xf32, #tpu.memory_space<vmem>>, vector<1x16xf32>,
      %get3A_523 = vector.shape_cast %get3A_522 : vector<1x16xf32> to vector<16xf32>
      %get3A_524 = arith.index_cast %add3A_519 : i32 to index
      %get3A_525 = arith.constant 16 : index
      %get3A_526 = tpu.vector_load %arg9[%get3A_524, %get3A_525] {strides = array<i32>} : memref<512x32xf32, #tpu.memory_space<vmem>>, vector<1x16xf32>,
      %get3A_527 = vector.shape_cast %get3A_526 : vector<1x16xf32> to vector<16xf32>
      %get3A_528 = arith.index_cast %add3A_519 : i32 to index
      %get3A_529 = arith.constant 0 : index
      %get3A_530 = tpu.vector_load %arg10[%get3A_528, %get3A_529] {strides = array<i32>} : memref<512x32xf32, #tpu.memory_space<vmem>>, vector<1x16xf32>,
      %get3A_531 = vector.shape_cast %get3A_530 : vector<1x16xf32> to vector<16xf32>
      %get3A_532 = arith.index_cast %add3A_519 : i32 to index
      %get3A_533 = arith.constant 16 : index
      %get3A_534 = tpu.vector_load %arg10[%get3A_532, %get3A_533] {strides = array<i32>} : memref<512x32xf32, #tpu.memory_space<vmem>>, vector<1x16xf32>,
      %get3A_535 = vector.shape_cast %get3A_534 : vector<1x16xf32> to vector<16xf32>
      %mul3A_536 = arith.mulf %get3A_523, %get3A_531 : vector<16xf32>
      %mul3A_537 = arith.mulf %get3A_527, %get3A_535 : vector<16xf32>
      %add3A_538 = arith.addf %mul3A_536, %mul3A_537 : vector<16xf32>
      %broadcast_in_dim3A_539 = vector.shape_cast %xor3A_131 : vector<16xi32> to vector<16x1xi32>
      %gather3A_540 = vector.shape_cast %broadcast_in_dim3A_539 : vector<16x1xi32> to vector<16xi32>
      %gather3A_541 = tpu.dynamic_gather %add3A_538[%gather3A_540] in [0] : vector<16xf32>, vector<16xi32> -> vector<16xf32>
      %add3A_542 = arith.addf %add3A_538, %gather3A_541 : vector<16xf32>
      %broadcast_in_dim3A_543 = vector.shape_cast %xor3A_135 : vector<16xi32> to vector<16x1xi32>
      %gather3A_544 = vector.shape_cast %broadcast_in_dim3A_543 : vector<16x1xi32> to vector<16xi32>
      %gather3A_545 = tpu.dynamic_gather %add3A_542[%gather3A_544] in [0] : vector<16xf32>, vector<16xi32> -> vector<16xf32>
      %add3A_546 = arith.addf %add3A_542, %gather3A_545 : vector<16xf32>
      %broadcast_in_dim3A_547 = vector.shape_cast %xor3A_139 : vector<16xi32> to vector<16x1xi32>
      %gather3A_548 = vector.shape_cast %broadcast_in_dim3A_547 : vector<16x1xi32> to vector<16xi32>
      %gather3A_549 = tpu.dynamic_gather %add3A_546[%gather3A_548] in [0] : vector<16xf32>, vector<16xi32> -> vector<16xf32>
      %add3A_550 = arith.addf %add3A_546, %gather3A_549 : vector<16xf32>
      %broadcast_in_dim3A_551 = vector.shape_cast %xor3A_143 : vector<16xi32> to vector<16x1xi32>
      %gather3A_552 = vector.shape_cast %broadcast_in_dim3A_551 : vector<16x1xi32> to vector<16xi32>
      %gather3A_553 = tpu.dynamic_gather %add3A_550[%gather3A_552] in [0] : vector<16xf32>, vector<16xi32> -> vector<16xf32>
      %add3A_554 = arith.addf %add3A_550, %gather3A_553 : vector<16xf32>
      %eq3A_555 = arith.constant 9 : i32
      %eq3A_556 = vector.broadcast %eq3A_555 : i32 to vector<16xi32>
      %eq3A_557 = arith.cmpi eq, %iota3A, %eq3A_556 : vector<16xi32>
      %select_n3A_558 = arith.select %eq3A_557, %add3A_554, %select_n3A_517 : vector<16xi1>, vector<16xf32>
      %add3A_559 = arith.constant 10 : i32
      %add3A_560 = arith.addi %mul3A_151, %add3A_559 : i32
      %get3A_561 = arith.index_cast %add3A_560 : i32 to index
      %get3A_562 = arith.constant 0 : index
      %get3A_563 = tpu.vector_load %arg9[%get3A_561, %get3A_562] {strides = array<i32>} : memref<512x32xf32, #tpu.memory_space<vmem>>, vector<1x16xf32>,
      %get3A_564 = vector.shape_cast %get3A_563 : vector<1x16xf32> to vector<16xf32>
      %get3A_565 = arith.index_cast %add3A_560 : i32 to index
      %get3A_566 = arith.constant 16 : index
      %get3A_567 = tpu.vector_load %arg9[%get3A_565, %get3A_566] {strides = array<i32>} : memref<512x32xf32, #tpu.memory_space<vmem>>, vector<1x16xf32>,
      %get3A_568 = vector.shape_cast %get3A_567 : vector<1x16xf32> to vector<16xf32>
      %get3A_569 = arith.index_cast %add3A_560 : i32 to index
      %get3A_570 = arith.constant 0 : index
      %get3A_571 = tpu.vector_load %arg10[%get3A_569, %get3A_570] {strides = array<i32>} : memref<512x32xf32, #tpu.memory_space<vmem>>, vector<1x16xf32>,
      %get3A_572 = vector.shape_cast %get3A_571 : vector<1x16xf32> to vector<16xf32>
      %get3A_573 = arith.index_cast %add3A_560 : i32 to index
      %get3A_574 = arith.constant 16 : index
      %get3A_575 = tpu.vector_load %arg10[%get3A_573, %get3A_574] {strides = array<i32>} : memref<512x32xf32, #tpu.memory_space<vmem>>, vector<1x16xf32>,
      %get3A_576 = vector.shape_cast %get3A_575 : vector<1x16xf32> to vector<16xf32>
      %mul3A_577 = arith.mulf %get3A_564, %get3A_572 : vector<16xf32>
      %mul3A_578 = arith.mulf %get3A_568, %get3A_576 : vector<16xf32>
      %add3A_579 = arith.addf %mul3A_577, %mul3A_578 : vector<16xf32>
      %broadcast_in_dim3A_580 = vector.shape_cast %xor3A_131 : vector<16xi32> to vector<16x1xi32>
      %gather3A_581 = vector.shape_cast %broadcast_in_dim3A_580 : vector<16x1xi32> to vector<16xi32>
      %gather3A_582 = tpu.dynamic_gather %add3A_579[%gather3A_581] in [0] : vector<16xf32>, vector<16xi32> -> vector<16xf32>
      %add3A_583 = arith.addf %add3A_579, %gather3A_582 : vector<16xf32>
      %broadcast_in_dim3A_584 = vector.shape_cast %xor3A_135 : vector<16xi32> to vector<16x1xi32>
      %gather3A_585 = vector.shape_cast %broadcast_in_dim3A_584 : vector<16x1xi32> to vector<16xi32>
      %gather3A_586 = tpu.dynamic_gather %add3A_583[%gather3A_585] in [0] : vector<16xf32>, vector<16xi32> -> vector<16xf32>
      %add3A_587 = arith.addf %add3A_583, %gather3A_586 : vector<16xf32>
      %broadcast_in_dim3A_588 = vector.shape_cast %xor3A_139 : vector<16xi32> to vector<16x1xi32>
      %gather3A_589 = vector.shape_cast %broadcast_in_dim3A_588 : vector<16x1xi32> to vector<16xi32>
      %gather3A_590 = tpu.dynamic_gather %add3A_587[%gather3A_589] in [0] : vector<16xf32>, vector<16xi32> -> vector<16xf32>
      %add3A_591 = arith.addf %add3A_587, %gather3A_590 : vector<16xf32>
      %broadcast_in_dim3A_592 = vector.shape_cast %xor3A_143 : vector<16xi32> to vector<16x1xi32>
      %gather3A_593 = vector.shape_cast %broadcast_in_dim3A_592 : vector<16x1xi32> to vector<16xi32>
      %gather3A_594 = tpu.dynamic_gather %add3A_591[%gather3A_593] in [0] : vector<16xf32>, vector<16xi32> -> vector<16xf32>
      %add3A_595 = arith.addf %add3A_591, %gather3A_594 : vector<16xf32>
      %eq3A_596 = arith.constant 10 : i32
      %eq3A_597 = vector.broadcast %eq3A_596 : i32 to vector<16xi32>
      %eq3A_598 = arith.cmpi eq, %iota3A, %eq3A_597 : vector<16xi32>
      %select_n3A_599 = arith.select %eq3A_598, %add3A_595, %select_n3A_558 : vector<16xi1>, vector<16xf32>
      %add3A_600 = arith.constant 11 : i32
      %add3A_601 = arith.addi %mul3A_151, %add3A_600 : i32
      %get3A_602 = arith.index_cast %add3A_601 : i32 to index
      %get3A_603 = arith.constant 0 : index
      %get3A_604 = tpu.vector_load %arg9[%get3A_602, %get3A_603] {strides = array<i32>} : memref<512x32xf32, #tpu.memory_space<vmem>>, vector<1x16xf32>,
      %get3A_605 = vector.shape_cast %get3A_604 : vector<1x16xf32> to vector<16xf32>
      %get3A_606 = arith.index_cast %add3A_601 : i32 to index
      %get3A_607 = arith.constant 16 : index
      %get3A_608 = tpu.vector_load %arg9[%get3A_606, %get3A_607] {strides = array<i32>} : memref<512x32xf32, #tpu.memory_space<vmem>>, vector<1x16xf32>,
      %get3A_609 = vector.shape_cast %get3A_608 : vector<1x16xf32> to vector<16xf32>
      %get3A_610 = arith.index_cast %add3A_601 : i32 to index
      %get3A_611 = arith.constant 0 : index
      %get3A_612 = tpu.vector_load %arg10[%get3A_610, %get3A_611] {strides = array<i32>} : memref<512x32xf32, #tpu.memory_space<vmem>>, vector<1x16xf32>,
      %get3A_613 = vector.shape_cast %get3A_612 : vector<1x16xf32> to vector<16xf32>
      %get3A_614 = arith.index_cast %add3A_601 : i32 to index
      %get3A_615 = arith.constant 16 : index
      %get3A_616 = tpu.vector_load %arg10[%get3A_614, %get3A_615] {strides = array<i32>} : memref<512x32xf32, #tpu.memory_space<vmem>>, vector<1x16xf32>,
      %get3A_617 = vector.shape_cast %get3A_616 : vector<1x16xf32> to vector<16xf32>
      %mul3A_618 = arith.mulf %get3A_605, %get3A_613 : vector<16xf32>
      %mul3A_619 = arith.mulf %get3A_609, %get3A_617 : vector<16xf32>
      %add3A_620 = arith.addf %mul3A_618, %mul3A_619 : vector<16xf32>
      %broadcast_in_dim3A_621 = vector.shape_cast %xor3A_131 : vector<16xi32> to vector<16x1xi32>
      %gather3A_622 = vector.shape_cast %broadcast_in_dim3A_621 : vector<16x1xi32> to vector<16xi32>
      %gather3A_623 = tpu.dynamic_gather %add3A_620[%gather3A_622] in [0] : vector<16xf32>, vector<16xi32> -> vector<16xf32>
      %add3A_624 = arith.addf %add3A_620, %gather3A_623 : vector<16xf32>
      %broadcast_in_dim3A_625 = vector.shape_cast %xor3A_135 : vector<16xi32> to vector<16x1xi32>
      %gather3A_626 = vector.shape_cast %broadcast_in_dim3A_625 : vector<16x1xi32> to vector<16xi32>
      %gather3A_627 = tpu.dynamic_gather %add3A_624[%gather3A_626] in [0] : vector<16xf32>, vector<16xi32> -> vector<16xf32>
      %add3A_628 = arith.addf %add3A_624, %gather3A_627 : vector<16xf32>
      %broadcast_in_dim3A_629 = vector.shape_cast %xor3A_139 : vector<16xi32> to vector<16x1xi32>
      %gather3A_630 = vector.shape_cast %broadcast_in_dim3A_629 : vector<16x1xi32> to vector<16xi32>
      %gather3A_631 = tpu.dynamic_gather %add3A_628[%gather3A_630] in [0] : vector<16xf32>, vector<16xi32> -> vector<16xf32>
      %add3A_632 = arith.addf %add3A_628, %gather3A_631 : vector<16xf32>
      %broadcast_in_dim3A_633 = vector.shape_cast %xor3A_143 : vector<16xi32> to vector<16x1xi32>
      %gather3A_634 = vector.shape_cast %broadcast_in_dim3A_633 : vector<16x1xi32> to vector<16xi32>
      %gather3A_635 = tpu.dynamic_gather %add3A_632[%gather3A_634] in [0] : vector<16xf32>, vector<16xi32> -> vector<16xf32>
      %add3A_636 = arith.addf %add3A_632, %gather3A_635 : vector<16xf32>
      %eq3A_637 = arith.constant 11 : i32
      %eq3A_638 = vector.broadcast %eq3A_637 : i32 to vector<16xi32>
      %eq3A_639 = arith.cmpi eq, %iota3A, %eq3A_638 : vector<16xi32>
      %select_n3A_640 = arith.select %eq3A_639, %add3A_636, %select_n3A_599 : vector<16xi1>, vector<16xf32>
      %add3A_641 = arith.constant 12 : i32
      %add3A_642 = arith.addi %mul3A_151, %add3A_641 : i32
      %get3A_643 = arith.index_cast %add3A_642 : i32 to index
      %get3A_644 = arith.constant 0 : index
      %get3A_645 = tpu.vector_load %arg9[%get3A_643, %get3A_644] {strides = array<i32>} : memref<512x32xf32, #tpu.memory_space<vmem>>, vector<1x16xf32>,
      %get3A_646 = vector.shape_cast %get3A_645 : vector<1x16xf32> to vector<16xf32>
      %get3A_647 = arith.index_cast %add3A_642 : i32 to index
      %get3A_648 = arith.constant 16 : index
      %get3A_649 = tpu.vector_load %arg9[%get3A_647, %get3A_648] {strides = array<i32>} : memref<512x32xf32, #tpu.memory_space<vmem>>, vector<1x16xf32>,
      %get3A_650 = vector.shape_cast %get3A_649 : vector<1x16xf32> to vector<16xf32>
      %get3A_651 = arith.index_cast %add3A_642 : i32 to index
      %get3A_652 = arith.constant 0 : index
      %get3A_653 = tpu.vector_load %arg10[%get3A_651, %get3A_652] {strides = array<i32>} : memref<512x32xf32, #tpu.memory_space<vmem>>, vector<1x16xf32>,
      %get3A_654 = vector.shape_cast %get3A_653 : vector<1x16xf32> to vector<16xf32>
      %get3A_655 = arith.index_cast %add3A_642 : i32 to index
      %get3A_656 = arith.constant 16 : index
      %get3A_657 = tpu.vector_load %arg10[%get3A_655, %get3A_656] {strides = array<i32>} : memref<512x32xf32, #tpu.memory_space<vmem>>, vector<1x16xf32>,
      %get3A_658 = vector.shape_cast %get3A_657 : vector<1x16xf32> to vector<16xf32>
      %mul3A_659 = arith.mulf %get3A_646, %get3A_654 : vector<16xf32>
      %mul3A_660 = arith.mulf %get3A_650, %get3A_658 : vector<16xf32>
      %add3A_661 = arith.addf %mul3A_659, %mul3A_660 : vector<16xf32>
      %broadcast_in_dim3A_662 = vector.shape_cast %xor3A_131 : vector<16xi32> to vector<16x1xi32>
      %gather3A_663 = vector.shape_cast %broadcast_in_dim3A_662 : vector<16x1xi32> to vector<16xi32>
      %gather3A_664 = tpu.dynamic_gather %add3A_661[%gather3A_663] in [0] : vector<16xf32>, vector<16xi32> -> vector<16xf32>
      %add3A_665 = arith.addf %add3A_661, %gather3A_664 : vector<16xf32>
      %broadcast_in_dim3A_666 = vector.shape_cast %xor3A_135 : vector<16xi32> to vector<16x1xi32>
      %gather3A_667 = vector.shape_cast %broadcast_in_dim3A_666 : vector<16x1xi32> to vector<16xi32>
      %gather3A_668 = tpu.dynamic_gather %add3A_665[%gather3A_667] in [0] : vector<16xf32>, vector<16xi32> -> vector<16xf32>
      %add3A_669 = arith.addf %add3A_665, %gather3A_668 : vector<16xf32>
      %broadcast_in_dim3A_670 = vector.shape_cast %xor3A_139 : vector<16xi32> to vector<16x1xi32>
      %gather3A_671 = vector.shape_cast %broadcast_in_dim3A_670 : vector<16x1xi32> to vector<16xi32>
      %gather3A_672 = tpu.dynamic_gather %add3A_669[%gather3A_671] in [0] : vector<16xf32>, vector<16xi32> -> vector<16xf32>
      %add3A_673 = arith.addf %add3A_669, %gather3A_672 : vector<16xf32>
      %broadcast_in_dim3A_674 = vector.shape_cast %xor3A_143 : vector<16xi32> to vector<16x1xi32>
      %gather3A_675 = vector.shape_cast %broadcast_in_dim3A_674 : vector<16x1xi32> to vector<16xi32>
      %gather3A_676 = tpu.dynamic_gather %add3A_673[%gather3A_675] in [0] : vector<16xf32>, vector<16xi32> -> vector<16xf32>
      %add3A_677 = arith.addf %add3A_673, %gather3A_676 : vector<16xf32>
      %eq3A_678 = arith.constant 12 : i32
      %eq3A_679 = vector.broadcast %eq3A_678 : i32 to vector<16xi32>
      %eq3A_680 = arith.cmpi eq, %iota3A, %eq3A_679 : vector<16xi32>
      %select_n3A_681 = arith.select %eq3A_680, %add3A_677, %select_n3A_640 : vector<16xi1>, vector<16xf32>
      %add3A_682 = arith.constant 13 : i32
      %add3A_683 = arith.addi %mul3A_151, %add3A_682 : i32
      %get3A_684 = arith.index_cast %add3A_683 : i32 to index
      %get3A_685 = arith.constant 0 : index
      %get3A_686 = tpu.vector_load %arg9[%get3A_684, %get3A_685] {strides = array<i32>} : memref<512x32xf32, #tpu.memory_space<vmem>>, vector<1x16xf32>,
      %get3A_687 = vector.shape_cast %get3A_686 : vector<1x16xf32> to vector<16xf32>
      %get3A_688 = arith.index_cast %add3A_683 : i32 to index
      %get3A_689 = arith.constant 16 : index
      %get3A_690 = tpu.vector_load %arg9[%get3A_688, %get3A_689] {strides = array<i32>} : memref<512x32xf32, #tpu.memory_space<vmem>>, vector<1x16xf32>,
      %get3A_691 = vector.shape_cast %get3A_690 : vector<1x16xf32> to vector<16xf32>
      %get3A_692 = arith.index_cast %add3A_683 : i32 to index
      %get3A_693 = arith.constant 0 : index
      %get3A_694 = tpu.vector_load %arg10[%get3A_692, %get3A_693] {strides = array<i32>} : memref<512x32xf32, #tpu.memory_space<vmem>>, vector<1x16xf32>,
      %get3A_695 = vector.shape_cast %get3A_694 : vector<1x16xf32> to vector<16xf32>
      %get3A_696 = arith.index_cast %add3A_683 : i32 to index
      %get3A_697 = arith.constant 16 : index
      %get3A_698 = tpu.vector_load %arg10[%get3A_696, %get3A_697] {strides = array<i32>} : memref<512x32xf32, #tpu.memory_space<vmem>>, vector<1x16xf32>,
      %get3A_699 = vector.shape_cast %get3A_698 : vector<1x16xf32> to vector<16xf32>
      %mul3A_700 = arith.mulf %get3A_687, %get3A_695 : vector<16xf32>
      %mul3A_701 = arith.mulf %get3A_691, %get3A_699 : vector<16xf32>
      %add3A_702 = arith.addf %mul3A_700, %mul3A_701 : vector<16xf32>
      %broadcast_in_dim3A_703 = vector.shape_cast %xor3A_131 : vector<16xi32> to vector<16x1xi32>
      %gather3A_704 = vector.shape_cast %broadcast_in_dim3A_703 : vector<16x1xi32> to vector<16xi32>
      %gather3A_705 = tpu.dynamic_gather %add3A_702[%gather3A_704] in [0] : vector<16xf32>, vector<16xi32> -> vector<16xf32>
      %add3A_706 = arith.addf %add3A_702, %gather3A_705 : vector<16xf32>
      %broadcast_in_dim3A_707 = vector.shape_cast %xor3A_135 : vector<16xi32> to vector<16x1xi32>
      %gather3A_708 = vector.shape_cast %broadcast_in_dim3A_707 : vector<16x1xi32> to vector<16xi32>
      %gather3A_709 = tpu.dynamic_gather %add3A_706[%gather3A_708] in [0] : vector<16xf32>, vector<16xi32> -> vector<16xf32>
      %add3A_710 = arith.addf %add3A_706, %gather3A_709 : vector<16xf32>
      %broadcast_in_dim3A_711 = vector.shape_cast %xor3A_139 : vector<16xi32> to vector<16x1xi32>
      %gather3A_712 = vector.shape_cast %broadcast_in_dim3A_711 : vector<16x1xi32> to vector<16xi32>
      %gather3A_713 = tpu.dynamic_gather %add3A_710[%gather3A_712] in [0] : vector<16xf32>, vector<16xi32> -> vector<16xf32>
      %add3A_714 = arith.addf %add3A_710, %gather3A_713 : vector<16xf32>
      %broadcast_in_dim3A_715 = vector.shape_cast %xor3A_143 : vector<16xi32> to vector<16x1xi32>
      %gather3A_716 = vector.shape_cast %broadcast_in_dim3A_715 : vector<16x1xi32> to vector<16xi32>
      %gather3A_717 = tpu.dynamic_gather %add3A_714[%gather3A_716] in [0] : vector<16xf32>, vector<16xi32> -> vector<16xf32>
      %add3A_718 = arith.addf %add3A_714, %gather3A_717 : vector<16xf32>
      %eq3A_719 = arith.constant 13 : i32
      %eq3A_720 = vector.broadcast %eq3A_719 : i32 to vector<16xi32>
      %eq3A_721 = arith.cmpi eq, %iota3A, %eq3A_720 : vector<16xi32>
      %select_n3A_722 = arith.select %eq3A_721, %add3A_718, %select_n3A_681 : vector<16xi1>, vector<16xf32>
      %add3A_723 = arith.constant 14 : i32
      %add3A_724 = arith.addi %mul3A_151, %add3A_723 : i32
      %get3A_725 = arith.index_cast %add3A_724 : i32 to index
      %get3A_726 = arith.constant 0 : index
      %get3A_727 = tpu.vector_load %arg9[%get3A_725, %get3A_726] {strides = array<i32>} : memref<512x32xf32, #tpu.memory_space<vmem>>, vector<1x16xf32>,
      %get3A_728 = vector.shape_cast %get3A_727 : vector<1x16xf32> to vector<16xf32>
      %get3A_729 = arith.index_cast %add3A_724 : i32 to index
      %get3A_730 = arith.constant 16 : index
      %get3A_731 = tpu.vector_load %arg9[%get3A_729, %get3A_730] {strides = array<i32>} : memref<512x32xf32, #tpu.memory_space<vmem>>, vector<1x16xf32>,
      %get3A_732 = vector.shape_cast %get3A_731 : vector<1x16xf32> to vector<16xf32>
      %get3A_733 = arith.index_cast %add3A_724 : i32 to index
      %get3A_734 = arith.constant 0 : index
      %get3A_735 = tpu.vector_load %arg10[%get3A_733, %get3A_734] {strides = array<i32>} : memref<512x32xf32, #tpu.memory_space<vmem>>, vector<1x16xf32>,
      %get3A_736 = vector.shape_cast %get3A_735 : vector<1x16xf32> to vector<16xf32>
      %get3A_737 = arith.index_cast %add3A_724 : i32 to index
      %get3A_738 = arith.constant 16 : index
      %get3A_739 = tpu.vector_load %arg10[%get3A_737, %get3A_738] {strides = array<i32>} : memref<512x32xf32, #tpu.memory_space<vmem>>, vector<1x16xf32>,
      %get3A_740 = vector.shape_cast %get3A_739 : vector<1x16xf32> to vector<16xf32>
      %mul3A_741 = arith.mulf %get3A_728, %get3A_736 : vector<16xf32>
      %mul3A_742 = arith.mulf %get3A_732, %get3A_740 : vector<16xf32>
      %add3A_743 = arith.addf %mul3A_741, %mul3A_742 : vector<16xf32>
      %broadcast_in_dim3A_744 = vector.shape_cast %xor3A_131 : vector<16xi32> to vector<16x1xi32>
      %gather3A_745 = vector.shape_cast %broadcast_in_dim3A_744 : vector<16x1xi32> to vector<16xi32>
      %gather3A_746 = tpu.dynamic_gather %add3A_743[%gather3A_745] in [0] : vector<16xf32>, vector<16xi32> -> vector<16xf32>
      %add3A_747 = arith.addf %add3A_743, %gather3A_746 : vector<16xf32>
      %broadcast_in_dim3A_748 = vector.shape_cast %xor3A_135 : vector<16xi32> to vector<16x1xi32>
      %gather3A_749 = vector.shape_cast %broadcast_in_dim3A_748 : vector<16x1xi32> to vector<16xi32>
      %gather3A_750 = tpu.dynamic_gather %add3A_747[%gather3A_749] in [0] : vector<16xf32>, vector<16xi32> -> vector<16xf32>
      %add3A_751 = arith.addf %add3A_747, %gather3A_750 : vector<16xf32>
      %broadcast_in_dim3A_752 = vector.shape_cast %xor3A_139 : vector<16xi32> to vector<16x1xi32>
      %gather3A_753 = vector.shape_cast %broadcast_in_dim3A_752 : vector<16x1xi32> to vector<16xi32>
      %gather3A_754 = tpu.dynamic_gather %add3A_751[%gather3A_753] in [0] : vector<16xf32>, vector<16xi32> -> vector<16xf32>
      %add3A_755 = arith.addf %add3A_751, %gather3A_754 : vector<16xf32>
      %broadcast_in_dim3A_756 = vector.shape_cast %xor3A_143 : vector<16xi32> to vector<16x1xi32>
      %gather3A_757 = vector.shape_cast %broadcast_in_dim3A_756 : vector<16x1xi32> to vector<16xi32>
      %gather3A_758 = tpu.dynamic_gather %add3A_755[%gather3A_757] in [0] : vector<16xf32>, vector<16xi32> -> vector<16xf32>
      %add3A_759 = arith.addf %add3A_755, %gather3A_758 : vector<16xf32>
      %eq3A_760 = arith.constant 14 : i32
      %eq3A_761 = vector.broadcast %eq3A_760 : i32 to vector<16xi32>
      %eq3A_762 = arith.cmpi eq, %iota3A, %eq3A_761 : vector<16xi32>
      %select_n3A_763 = arith.select %eq3A_762, %add3A_759, %select_n3A_722 : vector<16xi1>, vector<16xf32>
      %add3A_764 = arith.constant 15 : i32
      %add3A_765 = arith.addi %mul3A_151, %add3A_764 : i32
      %get3A_766 = arith.index_cast %add3A_765 : i32 to index
      %get3A_767 = arith.constant 0 : index
      %get3A_768 = tpu.vector_load %arg9[%get3A_766, %get3A_767] {strides = array<i32>} : memref<512x32xf32, #tpu.memory_space<vmem>>, vector<1x16xf32>,
      %get3A_769 = vector.shape_cast %get3A_768 : vector<1x16xf32> to vector<16xf32>
      %get3A_770 = arith.index_cast %add3A_765 : i32 to index
      %get3A_771 = arith.constant 16 : index
      %get3A_772 = tpu.vector_load %arg9[%get3A_770, %get3A_771] {strides = array<i32>} : memref<512x32xf32, #tpu.memory_space<vmem>>, vector<1x16xf32>,
      %get3A_773 = vector.shape_cast %get3A_772 : vector<1x16xf32> to vector<16xf32>
      %get3A_774 = arith.index_cast %add3A_765 : i32 to index
      %get3A_775 = arith.constant 0 : index
      %get3A_776 = tpu.vector_load %arg10[%get3A_774, %get3A_775] {strides = array<i32>} : memref<512x32xf32, #tpu.memory_space<vmem>>, vector<1x16xf32>,
      %get3A_777 = vector.shape_cast %get3A_776 : vector<1x16xf32> to vector<16xf32>
      %get3A_778 = arith.index_cast %add3A_765 : i32 to index
      %get3A_779 = arith.constant 16 : index
      %get3A_780 = tpu.vector_load %arg10[%get3A_778, %get3A_779] {strides = array<i32>} : memref<512x32xf32, #tpu.memory_space<vmem>>, vector<1x16xf32>,
      %get3A_781 = vector.shape_cast %get3A_780 : vector<1x16xf32> to vector<16xf32>
      %mul3A_782 = arith.mulf %get3A_769, %get3A_777 : vector<16xf32>
      %mul3A_783 = arith.mulf %get3A_773, %get3A_781 : vector<16xf32>
      %add3A_784 = arith.addf %mul3A_782, %mul3A_783 : vector<16xf32>
      %broadcast_in_dim3A_785 = vector.shape_cast %xor3A_131 : vector<16xi32> to vector<16x1xi32>
      %gather3A_786 = vector.shape_cast %broadcast_in_dim3A_785 : vector<16x1xi32> to vector<16xi32>
      %gather3A_787 = tpu.dynamic_gather %add3A_784[%gather3A_786] in [0] : vector<16xf32>, vector<16xi32> -> vector<16xf32>
      %add3A_788 = arith.addf %add3A_784, %gather3A_787 : vector<16xf32>
      %broadcast_in_dim3A_789 = vector.shape_cast %xor3A_135 : vector<16xi32> to vector<16x1xi32>
      %gather3A_790 = vector.shape_cast %broadcast_in_dim3A_789 : vector<16x1xi32> to vector<16xi32>
      %gather3A_791 = tpu.dynamic_gather %add3A_788[%gather3A_790] in [0] : vector<16xf32>, vector<16xi32> -> vector<16xf32>
      %add3A_792 = arith.addf %add3A_788, %gather3A_791 : vector<16xf32>
      %broadcast_in_dim3A_793 = vector.shape_cast %xor3A_139 : vector<16xi32> to vector<16x1xi32>
      %gather3A_794 = vector.shape_cast %broadcast_in_dim3A_793 : vector<16x1xi32> to vector<16xi32>
      %gather3A_795 = tpu.dynamic_gather %add3A_792[%gather3A_794] in [0] : vector<16xf32>, vector<16xi32> -> vector<16xf32>
      %add3A_796 = arith.addf %add3A_792, %gather3A_795 : vector<16xf32>
      %broadcast_in_dim3A_797 = vector.shape_cast %xor3A_143 : vector<16xi32> to vector<16x1xi32>
      %gather3A_798 = vector.shape_cast %broadcast_in_dim3A_797 : vector<16x1xi32> to vector<16xi32>
      %gather3A_799 = tpu.dynamic_gather %add3A_796[%gather3A_798] in [0] : vector<16xf32>, vector<16xi32> -> vector<16xf32>
      %add3A_800 = arith.addf %add3A_796, %gather3A_799 : vector<16xf32>
      %eq3A_801 = arith.constant 15 : i32
      %eq3A_802 = vector.broadcast %eq3A_801 : i32 to vector<16xi32>
      %eq3A_803 = arith.cmpi eq, %iota3A, %eq3A_802 : vector<16xi32>
      %select_n3A_804 = arith.select %eq3A_803, %add3A_800, %select_n3A_763 : vector<16xi1>, vector<16xf32>
      %swap3A = arith.index_cast %mul3A_151 : i32 to index
      %swap3A_805 = tpu.vector_load %arg11[%swap3A] {strides = array<i32>} : memref<512xf32, #tpu.memory_space<vmem>>, vector<16xf32>,
      %swap3A_806 = vector.shape_cast %swap3A_805 : vector<16xf32> to vector<16xf32>
      %swap3A_807 = vector.shape_cast %select_n3A_804 : vector<16xf32> to vector<16xf32>
      tpu.vector_store %arg11[%swap3A], %swap3A_807 {strides = array<i32>} : memref<512xf32, #tpu.memory_space<vmem>>, vector<16xf32>,
    }
    %scan3A_148 = arith.constant 32 : i32
    "tpu.region"() ({
      %run_scoped3A = tpu.sem_alloc : memref<!tpu.dma_semaphore, #tpu.memory_space<semaphore_mem>>
      %dma_start3A_149 = tpu.memref_slice %arg6[%mul3A_2] : memref<16384xf32, #tpu.memory_space<hbm>> -> memref<512xf32, #tpu.memory_space<hbm>>
      %dma_start3A_150 = tpu.memref_slice %arg6[%mul3A_2] : memref<16384xf32, #tpu.memory_space<hbm>> -> memref<512xf32, #tpu.memory_space<hbm>>
      tpu.enqueue_dma source(%arg11 : memref<512xf32, #tpu.memory_space<vmem>>) target(%dma_start3A_150 : memref<512xf32, #tpu.memory_space<hbm>>) target_semaphore(%run_scoped3A : memref<!tpu.dma_semaphore, #tpu.memory_space<semaphore_mem>>)
      %dma_wait3A_151 = tpu.memref_slice %arg6[%mul3A_2] : memref<16384xf32, #tpu.memory_space<hbm>> -> memref<512xf32, #tpu.memory_space<hbm>>
      %dma_wait3A_152 = tpu.memref_slice %arg6[%mul3A_2] : memref<16384xf32, #tpu.memory_space<hbm>> -> memref<512xf32, #tpu.memory_space<hbm>>
      tpu.wait_dma2 semaphore(%run_scoped3A : memref<!tpu.dma_semaphore, #tpu.memory_space<semaphore_mem>>) src(%arg11 : memref<512xf32, #tpu.memory_space<vmem>>) dst(%dma_wait3A_152 : memref<512xf32, #tpu.memory_space<hbm>>)
      tpu.yield
    }) : () -> ()
    return
  }
}

</mosaic_0001>

<sc_bundles>
// kernel: _run.3.cloned.1.call-start
scs
__scs_entry_jumppad:
0x0: {  	(pc) =	sbr.rel $0x88, $3  }
0x1: {  	(tag) =	ssettag $0x0;
	lr =	simm.s32 $0x1  }
0x2: {  	[smem:$0x3F9D] =	sst lr;
	_ =	strace $0xD0000000  }
0x3: {  	_ = 	snop  }
0x4: {  	_ = 	snop  }
0x5: {  	_ = 	snop  }
0x6: {  	_ = 	snop  }
0x7: {  	_ = 	snop  }
__scs_overlays_trampoline_lowered:
0x8: {  	[smem:$0x3FAC] =	sst s0  }
0x9: {  	[smem:$0x3FAD] =	sst s1  }
0xa: {  	[smem:$0x3FAE] =	sst s2  }
0xb: {  	[smem:$0x3FAF] =	sst s3  }
0xc: {  	[smem:$0x3FB0] =	sst s4  }
0xd: {  	[smem:$0x3FB1] =	sst s5  }
0xe: {  	[smem:$0x3FB2] =	sst s6  }
0xf: {  	[smem:$0x3FB3] =	sst s7  }
0x10: {  	[smem:$0x3FB4] =	sst s8  }
0x11: {  	[smem:$0x3FB5] =	sst s9;
	s0 =	simm.s32 @!p0 $0x0  }
0x12: {  	s1 =	sld [smem:$0x3F9B];
	s0 =	simm.s32 @p0 $0x1  }
0x13: {  	[smem:$0x3FB6] =	sst s0;
	s0 =	simm.s32 @!p1 $0x0  }
0x14: {  	s2 =	sld [smem:$0x3F9A];
	s0 =	simm.s32 @p1 $0x1  }
0x15: {  	[smem:$0x3FB7] =	sst s0;
	s0 =	simm.s32 @!p2 $0x0  }
0x16: {  	s3 =	sld [smem:$0x3FDB];
	s0 =	simm.s32 @p2 $0x1  }
0x17: {  	s4 =	simm.s32 $0x1BF5;
	[smem:$0x3FB9] =	sst s0  }
0x18: {  	s0 =	sld [smem:$0x3F9C];
	_ =	swait.ge [sflag:s4], $0x0  }
0x19: {  	s7 =	sld [smem:$0x3F9D]  }
0x1a: {  	s8 =	sadd.s32 $0xFFFFE003, lr  }
0x1b: {  	s9 =	sadd.s32 $0xFFFFFEF7, lr;
	s5 =	simm.s32 $0xFFFFFFFF;
	p2 =	slt.u32 s8, $0xFFFFF086  }
0x1c: {  	p1 =	slt.u32 s9, $0xF7A;
	s5 =	simm.s32 @!p2 $0x0  }
0x1d: {  	s5 =	simm.s32 @p1 $0x1;
	p0 =	seq.s32 s7, s2  }
0x1e: {  	s7 =	smul.u32 @!p0 $0xF7A, s2;
	p2 =	seq.s32 @!p0 s5, $0x0  }
0x1f: {  	s9 =	smul.u32 $0xF7A, s1;
	s8 =	simm.s32 @!p0 $0x1BF5;
	p2 =	por !p2, p0  }
0x20: {  	[sflag:s8] =	ssyncset.s32 @!p0 $0xFFFFF086;
	s6 =	sadd.s32 @!p0 s3, s7;
	s7 =	simm.s32 @!p0 $0x108  }
0x21: {  	s3 =	sadd.s32 s3, s9;
	s6 =	sadd.s32 @!p0 $0x88, s6;
	s7 =	simm.s32 @p2 $0x1082  }
0x22: {  	[simem:s7], [sflag:s8] =	dma.local @!p0 [hbm:s6], $0xF7A  }
0x23: {  	s9 =	sor.u32 $0xD0000000, s2;
	s6 =	simm.s32 $0x108;
	_ =	swait.ge @!p0 [sflag:s8], $0x0  }
0x24: {  	s3 =	sadd.s32 $0x88, s3;
	s6 =	simm.s32 @!p1 $0x1082;
	[sflag:s4] =	ssyncset.s32 $0xFFFFF086  }
0x25: {  	[simem:s6], [sflag:s4] =	dma.local [hbm:s3], $0xF7A  }
0x26: {  	[smem:$0x3F9D] =	sst s1;
	(tag) =	ssettag s2;
	_ =	strace s9  }
0x27: {  	s1 =	sld [smem:$0x3FAD]  }
0x28: {  	s2 =	sld [smem:$0x3FAE]  }
0x29: {  	s4 =	sld [smem:$0x3FB0]  }
0x2a: {  	p0 =	seq.s32 s5, $0x0;
	s5 =	sld [smem:$0x3FB1]  }
0x2b: {  	s6 =	sld [smem:$0x3FB2]  }
0x2c: {  	s7 =	sld [smem:$0x3FB3]  }
0x2d: {  	s3 =	simm.s32 $0x108;
	s8 =	sld [smem:$0x3FB4]  }
0x2e: {  	s3 =	simm.s32 @!p0 $0x1082;
	s9 =	sld [smem:$0x3FB5]  }
0x2f: {  	lr =	sadd.s32 s0, s3;
	s0 =	sld [smem:$0x3FAC]  }
0x30: {  	s3 =	sld [smem:$0x3FAF]  }
0x31: {  	[smem:$0x3FB8] =	sst s10  }
0x32: {  	s10 =	sld [smem:$0x3FB6];
	_ =	sdelay $0x3  }
0x33: {  	p0 =	seq.s32 s10, $0x1;
	s10 =	sld [smem:$0x3FB8];
	_ =	sdelay $0x3  }
0x34: {  	[smem:$0x3FB8] =	sst s10  }
0x35: {  	s10 =	sld [smem:$0x3FB7];
	_ =	sdelay $0x3  }
0x36: {  	p1 =	seq.s32 s10, $0x1;
	s10 =	sld [smem:$0x3FB8];
	_ =	sdelay $0x3  }
0x37: {  	[smem:$0x3FB8] =	sst s10  }
0x38: {  	s10 =	sld [smem:$0x3FB9]  }
0x39: {  	_ = 	snop;
	(pc) =	sbr.ind lr, $3  }
0x3a: {  	_ = 	snop  }
0x3b: {  	_ = 	snop  }
0x3c: {  	p2 =	seq.s32 s10, $0x1;
	s10 =	sld [smem:$0x3FB8]  }
0x3d: {  	_ =	shalt  }
0x3e: {  	_ =	shalt  }
0x3f: {  	_ =	shalt  }
0x40: {  	_ =	shalt  }
0x41: {  	_ =	shalt  }
0x42: {  	_ =	shalt  }
0x43: {  	_ =	shalt  }
0x44: {  	_ =	shalt  }
0x45: {  	_ =	shalt  }
0x46: {  	_ =	shalt  }
0x47: {  	_ =	shalt  }
0x48: {  	_ =	shalt  }
0x49: {  	_ =	shalt  }
0x4a: {  	_ =	shalt  }
0x4b: {  	_ =	shalt  }
0x4c: {  	_ =	shalt  }
0x4d: {  	_ =	shalt  }
0x4e: {  	_ =	shalt  }
0x4f: {  	_ =	shalt  }
0x50: {  	_ =	shalt  }
0x51: {  	_ =	shalt  }
0x52: {  	_ =	shalt  }
0x53: {  	_ =	shalt  }
0x54: {  	_ =	shalt  }
0x55: {  	_ =	shalt  }
0x56: {  	_ =	shalt  }
0x57: {  	_ =	shalt  }
0x58: {  	_ =	shalt  }
0x59: {  	_ =	shalt  }
0x5a: {  	_ =	shalt  }
0x5b: {  	_ =	shalt  }
0x5c: {  	_ =	shalt  }
0x5d: {  	_ =	shalt  }
0x5e: {  	_ =	shalt  }
0x5f: {  	_ =	shalt  }
0x60: {  	_ =	shalt  }
0x61: {  	_ =	shalt  }
0x62: {  	_ =	shalt  }
0x63: {  	_ =	shalt  }
0x64: {  	_ =	shalt  }
0x65: {  	_ =	shalt  }
0x66: {  	_ =	shalt  }
0x67: {  	_ =	shalt  }
0x68: {  	_ =	shalt  }
0x69: {  	_ =	shalt  }
0x6a: {  	_ =	shalt  }
0x6b: {  	_ =	shalt  }
0x6c: {  	_ =	shalt  }
0x6d: {  	_ =	shalt  }
0x6e: {  	_ =	shalt  }
0x6f: {  	_ =	shalt  }
0x70: {  	_ =	shalt  }
0x71: {  	_ =	shalt  }
0x72: {  	_ =	shalt  }
0x73: {  	_ =	shalt  }
0x74: {  	_ =	shalt  }
0x75: {  	_ =	shalt  }
0x76: {  	_ =	shalt  }
0x77: {  	_ =	shalt  }
0x78: {  	_ =	shalt  }
0x79: {  	_ =	shalt  }
0x7a: {  	_ =	shalt  }
0x7b: {  	_ =	shalt  }
0x7c: {  	_ =	shalt  }
0x7d: {  	_ =	shalt  }
0x7e: {  	_ =	shalt  }
0x7f: {  	_ =	shalt  }
0x80: {  	_ =	shalt  }
0x81: {  	_ =	shalt  }
0x82: {  	_ =	shalt  }
0x83: {  	_ =	shalt  }
0x84: {  	_ =	shalt  }
0x85: {  	_ =	shalt  }
0x86: {  	_ =	shalt  }
0x87: {  	_ =	shalt  }
.Lfunc_end0:
.L_simem_size_0:
called_computation_lowered:
.L_overlay_start_0:
0x88: {  	s2 =	sld [smem:$0x3FD9]  }
0x89: {  	s3 =	sld [smem:$0x3FFE];
	_ =	sdelay $0x1  }
0x8a: {  	s1 =	srdreg.scid  }
0x8b: {  	s0 =	sand.u32 $0x1, s1  }
0x8c: {  	s17 =	sshll.u32 s0, $0xA;
	s2 =	sadd.s32 s3, s2  }
0x8d: {  	s2 =	sadd.s32 s2, s17  }
0x8e: {  	[smem:$0x3FC4] =	sst s2  }
0x8f: {  	_ = 	snop  }
0x90: {  	s2 =	sld [smem:$0x3FC9]  }
0x91: {  	s18 =	sld [smem:$0x3FC8]  }
0x92: {  	s4 =	sld [smem:$0x3FD0];
	(tm) =	ssettm $0x1  }
0x93: {  	s5 =	sld [smem:$0x3FFB];
	_ =	sdelay $0x3  }
0x94: {  	_ =	strace s5  }
0x95: {  	s5 =	sld [smem:$0x3FFC];
	_ =	sdelay $0x3  }
0x96: {  	_ =	strace s5  }
0x97: {  	s5 =	sld [smem:$0x3FFD];
	_ =	sdelay $0x3  }
0x98: {  	_ =	strace s5  }
0x99: {  	_ =	strace $0x8FFFFFFF  }
0x9a: {  	s19 =	sld [smem:$0x3FDB];
	_ =	sdelay $0x1  }
0x9b: {  	s6 =	simm.s32 $_scs_section_size  }
0x9c: {  	s7 =	simm.s32 $_size__tile_overlayer_lowered;
	s8 =	simm.s32 $_tile_overlayer_lowered  }
0x9d: {  	s22 =	simm.s32 $0x1BFF;
	s21 =	sshll.u32 s8, $0x1;
	s5 =	sadd.s32 s6, s19  }
0x9e: {  	s9 =	simm.s32 $0x0;
	s20 =	sshll.u32 s7, $0x1;
	s7 =	sadd.s32 s21, s5  }
0x9f: {  	[timem:s9], [sflag:s22] =	dma.local [hbm:s7], s20  }
0xa0: {  	_ =	swait.ge [sflag:s22], s20  }
0xa1: {  	s6 =	ssub.s32 $0x0, s20;
	[sflag:s22] =	ssyncset.done $0x0  }
0xa2: {  	[sflag:s22] =	ssyncadd.s32 s6;
	_ =	sdelay $0x1  }
0xa3: {  	s23 =	simm.s32 $0x1B8B  }
0xa4: {  	_ =	swait.ge [sflag:s23], $0x1  }
0xa5: {  	[sflag:s23] =	ssyncset.done $0x0  }
0xa6: {  	s25 =	simm.s32 $0x1B8E;
	s24 =	sld [smem:$0x3FFE];
	[sflag:s23] =	ssyncadd.s32 $0xFFFFFFFF  }
0xa7: {  	s26 =	simm.s32 $execute0_lowered;
	[smem:$0x3FD2] =	sst s25  }
0xa8: {  	s7 =	sshll.u32 s26, $0x1;
	_ =	strace $0x80000046;
	[dreg:$0x1] =	wrdreg $0xFFFFFFFF  }
0xa9: {  	s28 =	simm.s32 $_size_execute0_lowered;
	s5 =	sadd.s32 s5, s7;
	[dreg:$0x0] =	wrdreg $0x0  }
0xaa: {  	s7 =	sshll.u32 s28, $0x1;
	[dreg:$0x2] =	wrdreg s5  }
0xab: {  	[dreg:$0x3] =	wrdreg s7  }
0xac: {  	[dreg:$0x4] =	wrdreg $0xC0  }
0xad: {  	_ =	task [dreg:s9], $0x5FFFF  }
0xae: {  	[dreg:$0x1] =	wrdreg $0xFFFFFFFF  }
0xaf: {  	[dreg:$0x0] =	wrdreg $0x60  }
0xb0: {  	[dreg:$0x2] =	wrdreg s2  }
0xb1: {  	[dreg:$0x3] =	wrdreg s18  }
0xb2: {  	[dreg:$0x4] =	wrdreg s24  }
0xb3: {  	[dreg:$0x5] =	wrdreg s4  }
0xb4: {  	[dreg:$0x6] =	wrdreg $0x9  }
0xb5: {  	_ =	task.clear_ibuf [dreg:s9], $0x7FFFF;
	_ =	strace $0x90000046  }
0xb6: {  	s29 =	simm.s32 $0x9;
	_ =	strace $0x80000048  }
0xb7: {  	_ =	swait.ge [sflag:s29], $0x1  }
0xb8: {  	[sflag:s29] =	ssyncadd.s32 $0xFFFFFFFF  }
0xb9: {  	_ =	strace $0x90000048  }
0xba: {  	_ =	sfence  }
0xbb: {  	s30 =	sld [smem:$0x0];
	_ =	sdelay $0x2  }
0xbc: {  	s31 =	sshll.u32 s1, $0xD;
	s1 =	sshrl.u32 s1, $0x2  }
0xbd: {  	s3 =	sand.u32 $0x4000, s31;
	s1 =	sadd.s32 s1, s30  }
0xbe: {  	s0 =	sor.u32 s3, s0;
	s1 =	sshll.u32 s1, $0x11  }
0xbf: {  	s0 =	sor.u32 s1, s0  }
0xc0: {  	s0 =	sadd.s32 $0x8F2B, s0  }
0xc1: {  	[sflag:s0] =	ssyncadd.remote.s32 $0x1  }
0xc2: {  	_ =	sfence.sel $0xFFFF  }
0xc3: {  	[dreg:$0x0] =	wrdreg $0xFFFFFFFF;
	(pc) =	sbr.abs _section_cstart, $3  }
0xc4: {  	[dreg:$0x1] =	wrdreg $0xFFFFFFFF  }
0xc5: {  	_ =	task.clear_ibuf [dreg:s9], $0x2FFFF;
	_ =	strace $0x9FFFFFFF  }
0xc6: {  	(tm) =	ssettm $0x7FFFFFFF  }
0xc7: {  	_ =	shalt  }
tec
execute0_lowered:
.L_overlay_start_1:
0x0: {  	(tag) =	ssettag $0x1  }
0x1: {  	s5 =	rddreg [dreg:$0x0]  }
0x2: {  	v0 =	vimm.s32 $0xEFCDAB89;
	s6 =	rddreg [dreg:$0x1];
	v1 =	vimm.s32 $0x67452301  }
0x3: {  	v2 =	vimm.s32 $0xDCFE98BA;
	s4 =	rddreg [dreg:$0x2];
	v3 =	vimm.s32 $0x54761032;
	v4 =	vimm.s32 $0xBA98FEDC  }
0x4: {  	s7 =	rddreg [dreg:$0x3];
	v5 =	vimm.s32 $0x32107654;
	v6 =	vimm.s32 $0xFEDCBA98;
	v7 =	vimm.s32 $0x76543210  }
0x5: {  	s0 =	rddreg [dreg:$0x4];
	s1 =	simm.s32 $0x0;
	vm0 =	vmmov $0x1;
	vm1 =	vmmov $0x3;
	vm2 =	vmmov $0x7  }
0x6: {  	s8 =	srdreg.scid;
	s2 =	stileid.u32;
	s12 =	simm.s32 $0x400;
	vm3 =	vmmov $0xf;
	vm4 =	vmmov $0x1f;
	vm5 =	vmmov $0x3f  }
0x7: {  	s13 =	simm.s32 $0x4400;
	s14 =	simm.s32 $0x1400;
	s15 =	simm.s32 $0x280;
	vm6 =	vmmov $0x7f;
	vm7 =	vmmov $0xff;
	vm8 =	vmmov $0x1ff  }
0x8: {  	s16 =	simm.s32 $0x5400;
	s17 =	simm.s32 $0x100;
	s18 =	simm.s32 $0x2400;
	vm9 =	vmmov $0x3ff;
	vm10 =	vmmov $0x7ff;
	vm11 =	vmmov $0xfff  }
0x9: {  	s19 =	simm.s32 $0x300;
	s20 =	simm.s32 $0x6400;
	s21 =	simm.s32 $0x180;
	vm12 =	vmmov $0x1fff;
	v0 =	vunpack.c.l.s4.s8 v0;
	v1 =	vunpack.c.l.s4.s8 v1  }
0xa: {  	s22 =	simm.s32 $0x3400;
	s23 =	simm.s32 $0x380;
	s24 =	simm.s32 $0x7400;
	v2 =	vunpack.c.l.s4.s8 v2;
	v3 =	vunpack.c.l.s4.s8 v3;
	v4 =	vunpack.c.l.s4.s8 v4  }
0xb: {  	s25 =	simm.s32 $0x1;
	s26 =	simm.s32 $0x8400;
	s28 =	simm.s32 $0x0;
	v5 =	vunpack.c.l.s4.s8 v5;
	v6 =	vunpack.c.l.s4.s8 v6;
	v7 =	vunpack.c.l.s4.s8 v7  }
0xc: {  	[smem:$0x7FF] =	sst s1;
	s3 =	sadd.s32 $0xF42800, s4;
	s8 =	sand.u32 $0x1, s8;
	v0 =	vunpack.c.0.s8.s32 v0;
	v1 =	vunpack.c.0.s8.s32 v1;
	v2 =	vunpack.c.0.s8.s32 v2  }
0xd: {  	s10 =	sshll.u32 s2, $0x7;
	s4 =	sadd.s32 $0x1313200, s4;
	s9 =	ssub.s32 $0x2, s8;
	v3 =	vunpack.c.0.s8.s32 v3;
	v4 =	vunpack.c.0.s8.s32 v4;
	v5 =	vunpack.c.0.s8.s32 v5  }
0xe: {  	vm13 =	vmmov $0x3fff;
	_ =	strace $0x80000047;
	s8 =	sshll.u32 s8, $0x6;
	s11 =	sshrl.u32 s9, $0x1;
	v0 =	vcombine.low v1, v0;
	v1 =	vunpack.c.0.s8.s32 v6  }
0xf: {  	s8 =	sor.u32 s8, s10;
	s10 =	simm.s32 $0x200;
	s9 =	ssub.s32 s9, s11;
	v2 =	vcombine.low v3, v2;
	v3 =	vcombine.low v5, v4;
	v4 =	vunpack.c.0.s8.s32 v7  }
0x10: {  	vm14 =	vmmov $0x7fff;
	s5 =	sadd.s32 s5, s8;
	s6 =	sadd.s32 s6, s8;
	s7 =	sadd.s32 s7, s8;
	v0 =	vand.u32 $0xF, v0;
	v5 =	vand.u32 $0xF, v1  }
0x11: {  	s11 =	simm.s32 $0x80;
	s8 =	smax.u32 s9, $0x1;
	s9 =	simm.s32 $0x2;
	v1 =	vand.u32 $0xF, v2;
	v2 =	vand.u32 $0xF, v3;
	v3 =	vcombine.low v5, v4  }
.LBB2_1:
0x12: {  	[tilespmem:s1], [sflag:$0x2] =	stream.linear.gather [hbm4b:s5+s1], $0x200, $0x38;
	[tilespmem:$0x8600] =	vst v63  }
0x13: {  	_ =	swait.ge [sflag:s9], $0x200  }
0x14: {  	[sflag:s9] =	ssyncset.done $0x0  }
0x15: {  	[sflag:s9] =	ssyncadd.s32 $0xFFFFFE00  }
0x16: {  	[tilespmem:s10], [sflag:$0x2] =	stream.linear.gather [hbm4b:s6+s1], $0x200, $0x38;
	[tilespmem:$0x8600] =	vst v63  }
0x17: {  	_ =	swait.ge [sflag:s9], $0x200  }
0x18: {  	[sflag:s9] =	ssyncset.done $0x0  }
0x19: {  	[sflag:s9] =	ssyncadd.s32 $0xFFFFFE00  }
0x1a: {  	[tilespmem:s12], [sflag:$0x1] =	stream.indirect.gather [hbm4b:s3+s11], $0x20, s1, s11, $0xb8;
	[tilespmem:$0x8600] =	vst v63  }
0x1b: {  	_ = 	snop  }
0x1c: {  	[tilespmem:s13], [sflag:$0x1] =	stream.indirect.gather [hbm4b:s4+s11], $0x20, s10, s11, $0xb8;
	[tilespmem:$0x8600] =	vst v63  }
0x1d: {  	_ = 	snop  }
0x1e: {  	[tilespmem:s14], [sflag:$0x1] =	stream.indirect.gather [hbm4b:s3+s11], $0x20, s11, s11, $0xb8;
	[tilespmem:$0x8600] =	vst v63  }
0x1f: {  	_ = 	snop  }
0x20: {  	[tilespmem:s16], [sflag:$0x1] =	stream.indirect.gather [hbm4b:s4+s11], $0x20, s15, s11, $0xb8;
	[tilespmem:$0x8600] =	vst v63  }
0x21: {  	_ = 	snop  }
0x22: {  	[tilespmem:s18], [sflag:$0x1] =	stream.indirect.gather [hbm4b:s3+s11], $0x20, s17, s11, $0xb8;
	[tilespmem:$0x8600] =	vst v63  }
0x23: {  	_ = 	snop  }
0x24: {  	[tilespmem:s20], [sflag:$0x1] =	stream.indirect.gather [hbm4b:s4+s11], $0x20, s19, s11, $0xb8;
	[tilespmem:$0x8600] =	vst v63  }
0x25: {  	_ = 	snop  }
0x26: {  	[tilespmem:s22], [sflag:$0x1] =	stream.indirect.gather [hbm4b:s3+s11], $0x20, s21, s11, $0xb8;
	[tilespmem:$0x8600] =	vst v63  }
0x27: {  	_ = 	snop  }
0x28: {  	[tilespmem:s24], [sflag:$0x1] =	stream.indirect.gather [hbm4b:s4+s11], $0x20, s23, s11, $0xb8;
	[tilespmem:$0x8600] =	vst v63  }
0x29: {  	_ =	swait.ge [sflag:s25], $0x1000  }
0x2a: {  	[sflag:s25] =	ssyncset.done $0x0  }
0x2b: {  	[sflag:s25] =	ssyncadd.s32 $0xFFFFF000  }
0x2c: {  	_ =	swait.ge [sflag:s25], $0x1000  }
0x2d: {  	[sflag:s25] =	ssyncset.done $0x0  }
0x2e: {  	[sflag:s25] =	ssyncadd.s32 $0xFFFFF000  }
0x2f: {  	_ =	swait.ge [sflag:s25], $0x1000  }
0x30: {  	[sflag:s25] =	ssyncset.done $0x0  }
0x31: {  	[sflag:s25] =	ssyncadd.s32 $0xFFFFF000  }
0x32: {  	_ =	swait.ge [sflag:s25], $0x1000  }
0x33: {  	[sflag:s25] =	ssyncset.done $0x0  }
0x34: {  	[sflag:s25] =	ssyncadd.s32 $0xFFFFF000  }
0x35: {  	_ =	swait.ge [sflag:s25], $0x1000  }
0x36: {  	[sflag:s25] =	ssyncset.done $0x0  }
0x37: {  	[sflag:s25] =	ssyncadd.s32 $0xFFFFF000  }
0x38: {  	_ =	swait.ge [sflag:s25], $0x1000  }
0x39: {  	[sflag:s25] =	ssyncset.done $0x0  }
0x3a: {  	[sflag:s25] =	ssyncadd.s32 $0xFFFFF000  }
0x3b: {  	_ =	swait.ge [sflag:s25], $0x1000  }
0x3c: {  	[sflag:s25] =	ssyncset.done $0x0  }
0x3d: {  	[sflag:s25] =	ssyncadd.s32 $0xFFFFF000  }
0x3e: {  	_ =	swait.ge [sflag:s25], $0x1000  }
0x3f: {  	[sflag:s25] =	ssyncset.done $0x0  }
0x40: {  	s29 =	simm.s32 $0x0;
	[sflag:s25] =	ssyncadd.s32 $0xFFFFF000  }
0x41: {  	v4 =	vld [tilespmem:s29+$0x5E0]  }
0x42: {  	v5 =	vld [tilespmem:s29+$0x45E0]  }
0x43: {  	v6 =	vld [tilespmem:s29+$0x5F0]  }
0x44: {  	v7 =	vld [tilespmem:s29+$0x45F0]  }
0x45: {  	v8 =	vld [tilespmem:s29+$0x5C0]  }
0x46: {  	v9 =	vld [tilespmem:s29+$0x45C0]  }
0x47: {  	v10 =	vld [tilespmem:s29+$0x5D0]  }
0x48: {  	v11 =	vld [tilespmem:s29+$0x45D0]  }
0x49: {  	v12 =	vld [tilespmem:s29+$0x5A0]  }
0x4a: {  	v13 =	vld [tilespmem:s29+$0x45A0]  }
0x4b: {  	v14 =	vld [tilespmem:s29+$0x5B0]  }
0x4c: {  	v15 =	vld [tilespmem:s29+$0x45B0]  }
0x4d: {  	v16 =	vld [tilespmem:s29+$0x580]  }
0x4e: {  	v17 =	vld [tilespmem:s29+$0x4580]  }
0x4f: {  	v18 =	vld [tilespmem:s29+$0x590]  }
0x50: {  	v19 =	vld [tilespmem:s29+$0x4590]  }
0x51: {  	v20 =	vld [tilespmem:s29+$0x560]  }
0x52: {  	v21 =	vld [tilespmem:s29+$0x4560]  }
0x53: {  	v22 =	vld [tilespmem:s29+$0x570]  }
0x54: {  	v23 =	vld [tilespmem:s29+$0x4570]  }
0x55: {  	v24 =	vld [tilespmem:s29+$0x540]  }
0x56: {  	v25 =	vld [tilespmem:s29+$0x4540]  }
0x57: {  	v26 =	vld [tilespmem:s29+$0x550]  }
0x58: {  	v27 =	vld [tilespmem:s29+$0x4550]  }
0x59: {  	v28 =	vld [tilespmem:s29+$0x520]  }
0x5a: {  	v29 =	vld [tilespmem:s29+$0x4520]  }
0x5b: {  	v30 =	vld [tilespmem:s29+$0x530]  }
0x5c: {  	v31 =	vld [tilespmem:s29+$0x4530]  }
0x5d: {  	v32 =	vld [tilespmem:s29+$0x500]  }
0x5e: {  	v33 =	vld [tilespmem:s29+$0x4500]  }
0x5f: {  	v34 =	vld [tilespmem:s29+$0x4A0]  }
0x60: {  	v37 =	vld [tilespmem:s29+$0x44A0]  }
0x61: {  	v61 =	vld [tilespmem:s29+$0x4450]  }
0x62: {  	v43 =	vld [tilespmem:s29+$0x4470]  }
0x63: {  	v4 =	vmul.f32 v5, v4;
	v5 =	vmul.f32 v7, v6;
	v7 =	vld [tilespmem:s29+$0x510]  }
0x64: {  	v6 =	vmul.f32 v9, v8;
	v8 =	vmul.f32 v11, v10;
	v9 =	vld [tilespmem:s29+$0x4510]  }
0x65: {  	v10 =	vmul.f32 v13, v12;
	v11 =	vmul.f32 v15, v14;
	v12 =	vld [tilespmem:s29+$0x4E0]  }
0x66: {  	v13 =	vmul.f32 v17, v16;
	v14 =	vmul.f32 v19, v18;
	v15 =	vld [tilespmem:s29+$0x44E0]  }
0x67: {  	v16 =	vld [tilespmem:s29+$0x4C0];
	v20 =	vmul.f32 v21, v20;
	v21 =	vmul.f32 v23, v22  }
0x68: {  	v19 =	vld [tilespmem:s29+$0x44C0];
	v23 =	vmul.f32 v25, v24;
	v24 =	vmul.f32 v27, v26;
	v6 =	vadd.f32 v8, v6  }
0x69: {  	v26 =	vmul.f32 v29, v28;
	v27 =	vmul.f32 v31, v30;
	v4 =	vadd.f32 v5, v4;
	v8 =	vld [tilespmem:s29+$0x4F0]  }
0x6a: {  	v5 =	vadd.f32 v14, v13;
	v10 =	vadd.f32 v11, v10;
	v11 =	vld [tilespmem:s29+$0x44F0];
	v13 =	vperm.xlane v6, v0  }
0x6b: {  	v14 =	vperm.xlane v4, v0;
	v7 =	vmul.f32 v9, v7;
	v9 =	vadd.f32 v21, v20;
	v20 =	vld [tilespmem:s29+$0x470]  }
0x6c: {  	v17 =	vperm.xlane v5, v0;
	v12 =	vmul.f32 v15, v12;
	v15 =	vld [tilespmem:s29+$0x440]  }
0x6d: {  	v18 =	vperm.xlane v10, v0;
	v16 =	vmul.f32 v19, v16;
	v19 =	vld [tilespmem:s29+$0x4440]  }
0x6e: {  	v28 =	vmul.f32 v33, v32;
	v21 =	vld [tilespmem:s29+$0x450];
	v6 =	vadd.f32 v6, v13;
	v4 =	vadd.f32 v4, v14  }
0x6f: {  	v34 =	vmul.f32 v37, v34;
	v13 =	vld [tilespmem:s29+$0x4D0];
	v5 =	vadd.f32 v5, v17;
	v10 =	vadd.f32 v10, v18  }
0x70: {  	v14 =	vld [tilespmem:s29+$0x44D0];
	v8 =	vmul.f32 v11, v8;
	v11 =	vadd.f32 v24, v23;
	v17 =	vperm.xlane v6, v1  }
0x71: {  	v7 =	vadd.f32 v7, v28;
	v18 =	vperm.xlane v4, v1;
	v35 =	vperm.xlane v5, v1  }
0x72: {  	v57 =	vld [tilespmem:s29+$0x44B0];
	v36 =	vperm.xlane v10, v1;
	v8 =	vadd.f32 v8, v12;
	v12 =	vperm.xlane v9, v0  }
0x73: {  	v38 =	vld [tilespmem:s29+$0x480];
	v23 =	vperm.xlane v11, v0;
	v6 =	vadd.f32 v6, v17;
	v4 =	vadd.f32 v4, v18  }
0x74: {  	v41 =	vld [tilespmem:s29+$0x4480];
	v18 =	vadd.f32 v5, v35;
	v15 =	vmul.f32 v19, v15;
	v19 =	vmul.f32 v61, v21  }
0x75: {  	v25 =	vld [tilespmem:s29+$0x460];
	v10 =	vadd.f32 v10, v36;
	v20 =	vmul.f32 v43, v20;
	v13 =	vmul.f32 v14, v13  }
0x76: {  	v29 =	vld [tilespmem:s29+$0x420];
	v14 =	vadd.f32 v27, v26;
	v26 =	vperm.xlane v8, v0;
	v27 =	vperm.xlane v7, v0  }
0x77: {  	v24 =	vld [tilespmem:s29+$0x4400];
	v9 =	vadd.f32 v9, v12;
	v5 =	vperm.xlane v6, v2;
	v58 =	vperm.xlane v4, v2  }
0x78: {  	v17 =	vld [tilespmem:s29+$0x4B0];
	v11 =	vadd.f32 v11, v23;
	v39 =	vperm.xlane v18, v2;
	v40 =	vperm.xlane v10, v2  }
0x79: {  	v12 =	vld [tilespmem:s29+$0x400];
	v15 =	vadd.f32 v19, v15;
	v13 =	vadd.f32 v13, v16;
	v16 =	vperm.xlane v14, v0  }
0x7a: {  	v19 =	vmul.f32 v41, v38;
	v8 =	vadd.f32 v8, v26;
	v26 =	vld [tilespmem:s29+$0x4410];
	v5 =	vadd.f32 v6, v5  }
0x7b: {  	v23 =	vperm.xlane v9, v1;
	v6 =	vadd.f32 v10, v40;
	v10 =	vld [tilespmem:s29+$0x4460];
	v14 =	vadd.f32 v14, v16  }
0x7c: {  	v7 =	vadd.f32 v7, v27;
	v28 =	vperm.xlane v13, v0;
	v16 =	vld [tilespmem:s29+$0x410];
	v30 =	vperm.xlane v8, v1  }
0x7d: {  	v4 =	vadd.f32 v4, v58;
	v9 =	vadd.f32 v9, v23;
	v23 =	vld [tilespmem:s29+$0x4420];
	v27 =	vperm.xlane v14, v1  }
0x7e: {  	v31 =	vperm.xlane v7, v1;
	v13 =	vadd.f32 v13, v28;
	v8 =	vadd.f32 v8, v30;
	v30 =	vld [tilespmem:s29+$0x4430]  }
0x7f: {  	v17 =	vmul.f32 v57, v17;
	v28 =	vperm.xlane v11, v1;
	v14 =	vadd.f32 v14, v27;
	v27 =	vld [tilespmem:s29+$0x430]  }
0x80: {  	v12 =	vmul.f32 v24, v12;
	v7 =	vadd.f32 v7, v31;
	v59 =	vperm.xlane v13, v1  }
0x81: {  	v22 =	vld [tilespmem:s29+$0x490];
	v11 =	vadd.f32 v11, v28;
	v28 =	vperm.xlane v9, v2;
	v62 =	vperm.xlane v8, v2  }
0x82: {  	v18 =	vadd.f32 v18, v39;
	v63 =	vperm.xlane v7, v2;
	v10 =	vmul.f32 v10, v25;
	v25 =	vld [tilespmem:s29+$0x4490]  }
0x83: {  	v17 =	vadd.f32 v17, v34;
	v16 =	vmul.f32 v26, v16;
	v23 =	vmul.f32 v23, v29  }
0x84: {  	v13 =	vadd.f32 v13, v59;
	v9 =	vadd.f32 v9, v28;
	v24 =	vmul.f32 v30, v27  }
0x85: {  	v31 =	vperm.xlane v14, v2;
	v7 =	vadd.f32 v7, v63;
	v8 =	vadd.f32 v8, v62  }
0x86: {  	v60 =	vperm.xlane v11, v2;
	v12 =	vadd.f32 v16, v12;
	v16 =	vadd.f32 v24, v23  }
0x87: {  	v10 =	vadd.f32 v20, v10;
	v20 =	vperm.xlane v15, v0;
	v21 =	vmul.f32 v25, v22  }
0x88: {  	v11 =	vadd.f32 v11, v60;
	v22 =	vperm.xlane v12, v0;
	v23 =	vperm.xlane v16, v0  }
0x89: {  	v44 =	vperm.xlane v13, v2;
	v14 =	vadd.f32 v14, v31;
	v19 =	vadd.f32 v21, v19  }
0x8a: {  	v12 =	vadd.f32 v12, v22;
	v21 =	vperm.xlane v10, v0;
	v16 =	vadd.f32 v16, v23  }
0x8b: {  	v15 =	vadd.f32 v15, v20;
	v22 =	vperm.xlane v17, v0;
	v20 =	vperm.xlane v19, v0  }
0x8c: {  	v10 =	vadd.f32 v10, v21;
	v23 =	vperm.xlane v12, v1;
	v24 =	vperm.xlane v16, v1  }
0x8d: {  	v21 =	vperm.xlane v15, v1;
	v17 =	vadd.f32 v17, v22;
	v19 =	vadd.f32 v19, v20  }
0x8e: {  	v20 =	vperm.xlane v10, v1;
	v12 =	vadd.f32 v12, v23;
	v16 =	vadd.f32 v16, v24  }
0x8f: {  	v15 =	vadd.f32 v15, v21;
	v22 =	vperm.xlane v17, v1;
	v21 =	vperm.xlane v19, v1  }
0x90: {  	v10 =	vadd.f32 v10, v20;
	v23 =	vperm.xlane v12, v2;
	v24 =	vperm.xlane v16, v2  }
0x91: {  	v20 =	vperm.xlane v15, v2;
	v17 =	vadd.f32 v17, v22;
	v19 =	vadd.f32 v19, v21  }
0x92: {  	v21 =	vperm.xlane v10, v2;
	v12 =	vadd.f32 v12, v23;
	v16 =	vadd.f32 v16, v24  }
0x93: {  	v15 =	vadd.f32 v15, v20;
	v22 =	vperm.xlane v17, v2;
	v20 =	vperm.xlane v19, v2  }
0x94: {  	v10 =	vadd.f32 v10, v21;
	v23 =	vperm.xlane v12, v3;
	v24 =	vperm.xlane v16, v3  }
0x95: {  	v21 =	vperm.xlane v15, v3;
	v17 =	vadd.f32 v17, v22;
	v19 =	vadd.f32 v19, v20  }
0x96: {  	v20 =	vperm.xlane v10, v3;
	v12 =	vadd.f32 v12, v23;
	v16 =	vadd.f32 v16, v24  }
0x97: {  	v13 =	vadd.f32 v13, v44;
	v15 =	vadd.f32 v15, v21;
	v21 =	vperm.xlane v19, v3  }
0x98: {  	v10 =	vadd.f32 v10, v20;
	v12 =	vsel vm0, v12, v16;
	v16 =	vperm.xlane v17, v3  }
0x99: {  	v12 =	vsel vm1, v12, v15;
	v15 =	vadd.f32 v19, v21;
	v19 =	vperm.xlane v13, v3  }
0x9a: {  	v10 =	vsel vm2, v12, v10;
	v12 =	vadd.f32 v17, v16;
	v16 =	vperm.xlane v8, v3  }
0x9b: {  	v10 =	vsel vm3, v10, v15;
	v13 =	vadd.f32 v13, v19;
	v15 =	vperm.xlane v7, v3  }
0x9c: {  	v10 =	vsel vm4, v10, v12;
	v8 =	vadd.f32 v8, v16;
	v12 =	vperm.xlane v14, v3  }
0x9d: {  	v10 =	vsel vm5, v10, v13;
	v7 =	vadd.f32 v7, v15;
	v13 =	vperm.xlane v11, v3  }
0x9e: {  	v8 =	vsel vm6, v10, v8;
	v10 =	vadd.f32 v14, v12;
	v12 =	vperm.xlane v9, v3  }
0x9f: {  	v7 =	vsel vm7, v8, v7;
	v8 =	vadd.f32 v11, v13;
	v11 =	vperm.xlane v18, v3  }
0xa0: {  	v7 =	vsel vm8, v7, v10;
	v9 =	vadd.f32 v9, v12;
	v10 =	vperm.xlane v6, v3  }
0xa1: {  	v7 =	vsel vm9, v7, v8;
	v8 =	vadd.f32 v18, v11;
	v11 =	vperm.xlane v5, v3  }
0xa2: {  	v7 =	vsel vm10, v7, v9;
	v6 =	vadd.f32 v6, v10;
	v9 =	vperm.xlane v4, v3  }
0xa3: {  	v7 =	vsel vm11, v7, v8;
	v5 =	vadd.f32 v5, v11  }
0xa4: {  	v6 =	vsel vm12, v7, v6;
	v4 =	vadd.f32 v4, v9  }
0xa5: {  	v5 =	vsel vm13, v6, v5  }
0xa6: {  	v4 =	vsel vm14, v5, v4  }
0xa7: {  	s30 =	simm.s32 $0x200;
	[tilespmem:s26+$0x0] =	vst v4  }
0xa8: {  	v4 =	vld [tilespmem:s30+$0x5E0]  }
0xa9: {  	v5 =	vld [tilespmem:s30+$0x45E0]  }
0xaa: {  	v6 =	vld [tilespmem:s30+$0x5F0]  }
0xab: {  	v7 =	vld [tilespmem:s30+$0x45F0]  }
0xac: {  	v8 =	vld [tilespmem:s30+$0x5C0]  }
0xad: {  	v9 =	vld [tilespmem:s30+$0x45C0]  }
0xae: {  	v10 =	vld [tilespmem:s30+$0x5D0]  }
0xaf: {  	v11 =	vld [tilespmem:s30+$0x45D0]  }
0xb0: {  	v12 =	vld [tilespmem:s30+$0x5A0]  }
0xb1: {  	v13 =	vld [tilespmem:s30+$0x45A0]  }
0xb2: {  	v14 =	vld [tilespmem:s30+$0x5B0]  }
0xb3: {  	v15 =	vld [tilespmem:s30+$0x45B0]  }
0xb4: {  	v16 =	vld [tilespmem:s30+$0x580]  }
0xb5: {  	v17 =	vld [tilespmem:s30+$0x4580]  }
0xb6: {  	v18 =	vld [tilespmem:s30+$0x590]  }
0xb7: {  	v19 =	vld [tilespmem:s30+$0x4590]  }
0xb8: {  	v20 =	vld [tilespmem:s30+$0x560]  }
0xb9: {  	v21 =	vld [tilespmem:s30+$0x4560]  }
0xba: {  	v22 =	vld [tilespmem:s30+$0x570]  }
0xbb: {  	v23 =	vld [tilespmem:s30+$0x4570]  }
0xbc: {  	v24 =	vld [tilespmem:s30+$0x540]  }
0xbd: {  	v25 =	vld [tilespmem:s30+$0x4540]  }
0xbe: {  	v26 =	vld [tilespmem:s30+$0x550]  }
0xbf: {  	v27 =	vld [tilespmem:s30+$0x4550]  }
0xc0: {  	v28 =	vld [tilespmem:s30+$0x520]  }
0xc1: {  	v29 =	vld [tilespmem:s30+$0x4520]  }
0xc2: {  	v30 =	vld [tilespmem:s30+$0x530]  }
0xc3: {  	v31 =	vld [tilespmem:s30+$0x4530]  }
0xc4: {  	v45 =	vld [tilespmem:s30+$0x500]  }
0xc5: {  	v46 =	vld [tilespmem:s30+$0x4500]  }
0xc6: {  	v47 =	vld [tilespmem:s30+$0x510]  }
0xc7: {  	v48 =	vld [tilespmem:s30+$0x4510];
	v4 =	vmul.f32 v5, v4  }
0xc8: {  	v49 =	vld [tilespmem:s30+$0x4E0];
	v5 =	vmul.f32 v7, v6;
	v6 =	vmul.f32 v9, v8  }
0xc9: {  	v50 =	vld [tilespmem:s30+$0x4F0];
	v7 =	vmul.f32 v11, v10;
	v8 =	vmul.f32 v13, v12  }
0xca: {  	v51 =	vld [tilespmem:s30+$0x44F0];
	v9 =	vmul.f32 v15, v14;
	v10 =	vmul.f32 v17, v16  }
0xcb: {  	v52 =	vld [tilespmem:s30+$0x4C0];
	v11 =	vmul.f32 v19, v18;
	v20 =	vmul.f32 v21, v20  }
0xcc: {  	v53 =	vld [tilespmem:s30+$0x44C0];
	v21 =	vmul.f32 v23, v22;
	v22 =	vmul.f32 v25, v24  }
0xcd: {  	v54 =	vld [tilespmem:s30+$0x4D0];
	v23 =	vmul.f32 v27, v26;
	v24 =	vmul.f32 v29, v28  }
0xce: {  	v18 =	vld [tilespmem:s30+$0x44E0];
	v25 =	vmul.f32 v31, v30;
	v26 =	vmul.f32 v46, v45;
	v6 =	vadd.f32 v7, v6  }
0xcf: {  	v42 =	vld [tilespmem:s30+$0x44D0];
	v27 =	vmul.f32 v48, v47;
	v4 =	vadd.f32 v5, v4;
	v5 =	vadd.f32 v11, v10  }
0xd0: {  	v12 =	vld [tilespmem:s30+$0x44A0];
	v29 =	vmul.f32 v51, v50;
	v7 =	vadd.f32 v9, v8;
	v28 =	vadd.f32 v21, v20  }
0xd1: {  	v17 =	vld [tilespmem:s30+$0x460];
	v30 =	vadd.f32 v23, v22;
	v22 =	vmul.f32 v53, v52;
	v8 =	vperm.xlane v6, v0  }
0xd2: {  	v24 =	vadd.f32 v25, v24;
	v20 =	vld [tilespmem:s30+$0x4440];
	v9 =	vperm.xlane v4, v0;
	v10 =	vperm.xlane v5, v0  }
0xd3: {  	v26 =	vadd.f32 v27, v26;
	v11 =	vperm.xlane v7, v0;
	v21 =	vmul.f32 v18, v49;
	v18 =	vld [tilespmem:s30+$0x440]  }
0xd4: {  	v27 =	vperm.xlane v28, v0;
	v31 =	vperm.xlane v24, v0;
	v5 =	vadd.f32 v5, v10;
	v10 =	vld [tilespmem:s30+$0x4A0]  }
0xd5: {  	v57 =	vperm.xlane v26, v0;
	v6 =	vadd.f32 v6, v8;
	v7 =	vadd.f32 v7, v11;
	v11 =	vld [tilespmem:s30+$0x4B0]  }
0xd6: {  	v55 =	vperm.xlane v30, v0;
	v4 =	vadd.f32 v4, v9;
	v31 =	vadd.f32 v24, v31;
	v24 =	vld [tilespmem:s30+$0x410]  }
0xd7: {  	v23 =	vmul.f32 v42, v54;
	v27 =	vadd.f32 v28, v27;
	v59 =	vadd.f32 v26, v57;
	v26 =	vld [tilespmem:s30+$0x420]  }
0xd8: {  	v30 =	vadd.f32 v30, v55;
	v25 =	vadd.f32 v29, v21;
	v21 =	vld [tilespmem:s30+$0x450]  }
0xd9: {  	v29 =	vadd.f32 v23, v22;
	v22 =	vld [tilespmem:s30+$0x4400];
	v8 =	vperm.xlane v6, v1;
	v13 =	vperm.xlane v5, v1  }
0xda: {  	v23 =	vld [tilespmem:s30+$0x400];
	v9 =	vperm.xlane v4, v1;
	v15 =	vperm.xlane v7, v1  }
0xdb: {  	v60 =	vperm.xlane v27, v1;
	v61 =	vperm.xlane v30, v1;
	v14 =	vadd.f32 v5, v13;
	v13 =	vld [tilespmem:s30+$0x44B0]  }
0xdc: {  	v63 =	vperm.xlane v59, v1;
	v28 =	vperm.xlane v29, v0;
	v15 =	vadd.f32 v7, v15;
	v7 =	vld [tilespmem:s30+$0x480]  }
0xdd: {  	v56 =	vperm.xlane v25, v0;
	v6 =	vadd.f32 v6, v8;
	v4 =	vadd.f32 v4, v9;
	v8 =	vld [tilespmem:s30+$0x4480]  }
0xde: {  	v32 =	vadd.f32 v30, v61;
	v30 =	vld [tilespmem:s30+$0x430];
	v34 =	vadd.f32 v29, v28;
	v29 =	vperm.xlane v31, v1  }
0xdf: {  	v58 =	vadd.f32 v25, v56;
	v25 =	vld [tilespmem:s30+$0x4410];
	v5 =	vperm.xlane v6, v2;
	v9 =	vperm.xlane v4, v2  }
0xe0: {  	v33 =	vadd.f32 v27, v60;
	v28 =	vld [tilespmem:s30+$0x4420];
	v16 =	vperm.xlane v14, v2;
	v19 =	vperm.xlane v15, v2  }
0xe1: {  	v62 =	vperm.xlane v58, v1;
	v29 =	vadd.f32 v31, v29;
	v4 =	vadd.f32 v4, v9;
	v9 =	vld [tilespmem:s30+$0x490]  }
0xe2: {  	v36 =	vperm.xlane v34, v1;
	v5 =	vadd.f32 v6, v5;
	v6 =	vadd.f32 v15, v19;
	v19 =	vld [tilespmem:s30+$0x4460]  }
0xe3: {  	s31 =	simm.s32 $0x1000;
	s29 =	simm.s32 $0x8400;
	v35 =	vperm.xlane v33, v2;
	v31 =	vadd.f32 v59, v63;
	v15 =	vld [tilespmem:s30+$0x470];
	v27 =	vadd.f32 v58, v62  }
.LBB2_2:
0xe4: {  	p0 =	sne.s32 s31, $0xF800;
	v37 =	vld [tilespmem:s30+$0x4430];
	v34 =	vadd.f32 v34, v36;
	v36 =	vperm.xlane v29, v2;
	v38 =	vperm.xlane v32, v2  }
0xe5: {  	v14 =	vadd.f32 v14, v16;
	v39 =	vld [tilespmem:s30+$0x4450];
	v40 =	vperm.xlane v27, v2;
	v41 =	vperm.xlane v31, v2  }
0xe6: {  	v10 =	vmul.f32 v12, v10;
	v33 =	vadd.f32 v33, v35;
	v16 =	vld [tilespmem:s30+$0x4470];
	v12 =	vperm.xlane v34, v2  }
0xe7: {  	v17 =	vmul.f32 v19, v17;
	v11 =	vmul.f32 v13, v11;
	v13 =	vadd.f32 v32, v38;
	v19 =	vld [tilespmem:s30+$0x4490]  }
0xe8: {  	v22 =	vmul.f32 v22, v23;
	v23 =	vmul.f32 v25, v24;
	v24 =	vadd.f32 v29, v36  }
0xe9: {  	v25 =	vmul.f32 v28, v26;
	v28 =	vadd.f32 v31, v41;
	v26 =	vmul.f32 v37, v30  }
0xea: {  	v18 =	vmul.f32 v20, v18;
	v20 =	vmul.f32 v39, v21;
	v21 =	vadd.f32 v27, v40  }
0xeb: {  	v22 =	vadd.f32 v23, v22;
	v23 =	vadd.f32 v26, v25;
	v15 =	vmul.f32 v16, v15  }
0xec: {  	v7 =	vmul.f32 v8, v7;
	v16 =	vadd.f32 v20, v18;
	v8 =	vmul.f32 v19, v9  }
0xed: {  	v9 =	vperm.xlane v22, v0;
	v18 =	vperm.xlane v23, v0;
	v15 =	vadd.f32 v15, v17  }
0xee: {  	v17 =	vperm.xlane v16, v0;
	v7 =	vadd.f32 v8, v7;
	v8 =	vadd.f32 v11, v10  }
0xef: {  	v9 =	vadd.f32 v22, v9;
	v10 =	vadd.f32 v23, v18;
	v11 =	vperm.xlane v15, v0  }
0xf0: {  	v16 =	vadd.f32 v16, v17;
	v17 =	vperm.xlane v7, v0;
	v18 =	vperm.xlane v8, v0  }
0xf1: {  	v19 =	vperm.xlane v9, v1;
	v20 =	vperm.xlane v10, v1;
	v11 =	vadd.f32 v15, v11  }
0xf2: {  	v15 =	vperm.xlane v16, v1;
	v7 =	vadd.f32 v7, v17;
	v8 =	vadd.f32 v8, v18  }
0xf3: {  	v9 =	vadd.f32 v9, v19;
	v10 =	vadd.f32 v10, v20;
	v17 =	vperm.xlane v11, v1  }
0xf4: {  	v15 =	vadd.f32 v16, v15;
	v16 =	vperm.xlane v7, v1;
	v18 =	vperm.xlane v8, v1  }
0xf5: {  	v19 =	vperm.xlane v9, v2;
	v20 =	vperm.xlane v10, v2;
	v11 =	vadd.f32 v11, v17  }
0xf6: {  	v17 =	vperm.xlane v15, v2;
	v7 =	vadd.f32 v7, v16;
	v8 =	vadd.f32 v8, v18  }
0xf7: {  	v9 =	vadd.f32 v9, v19;
	v10 =	vadd.f32 v10, v20;
	v16 =	vperm.xlane v11, v2  }
0xf8: {  	v15 =	vadd.f32 v15, v17;
	v17 =	vperm.xlane v7, v2;
	v18 =	vperm.xlane v8, v2  }
0xf9: {  	v19 =	vperm.xlane v9, v3;
	v20 =	vperm.xlane v10, v3;
	v11 =	vadd.f32 v11, v16  }
0xfa: {  	v16 =	vperm.xlane v15, v3;
	v7 =	vadd.f32 v7, v17;
	v8 =	vadd.f32 v8, v18  }
0xfb: {  	v9 =	vadd.f32 v9, v19;
	v10 =	vadd.f32 v10, v20;
	v17 =	vperm.xlane v11, v3  }
0xfc: {  	v12 =	vadd.f32 v34, v12;
	v15 =	vadd.f32 v15, v16;
	v16 =	vperm.xlane v7, v3  }
0xfd: {  	v9 =	vsel vm0, v9, v10;
	v10 =	vadd.f32 v11, v17;
	v11 =	vperm.xlane v8, v3  }
0xfe: {  	v9 =	vsel vm1, v9, v15;
	v7 =	vadd.f32 v7, v16;
	v15 =	vperm.xlane v12, v3  }
0xff: {  	v9 =	vsel vm2, v9, v10;
	v8 =	vadd.f32 v8, v11;
	v10 =	vperm.xlane v21, v3  }
0x100: {  	v11 =	vperm.xlane v28, v3;
	v7 =	vsel vm3, v9, v7;
	v9 =	vadd.f32 v12, v15  }
0x101: {  	v7 =	vsel vm4, v7, v8;
	v8 =	vadd.f32 v21, v10;
	v10 =	vperm.xlane v24, v3  }
0x102: {  	v7 =	vsel vm5, v7, v9;
	v9 =	vadd.f32 v28, v11;
	v11 =	vperm.xlane v13, v3  }
0x103: {  	v7 =	vsel vm6, v7, v8;
	v8 =	vadd.f32 v24, v10;
	v10 =	vperm.xlane v33, v3  }
0x104: {  	v7 =	vsel vm7, v7, v9;
	v9 =	vadd.f32 v13, v11;
	v11 =	vperm.xlane v14, v3  }
0x105: {  	v7 =	vsel vm8, v7, v8;
	v8 =	vadd.f32 v33, v10;
	v10 =	vperm.xlane v6, v3  }
0x106: {  	v7 =	vsel vm9, v7, v9;
	v9 =	vadd.f32 v14, v11;
	v11 =	vperm.xlane v5, v3  }
0x107: {  	v7 =	vsel vm10, v7, v8;
	v6 =	vadd.f32 v6, v10;
	v8 =	vperm.xlane v4, v3  }
0x108: {  	v7 =	vsel vm11, v7, v9;
	v5 =	vadd.f32 v5, v11  }
0x109: {  	v6 =	vsel vm12, v7, v6;
	v4 =	vadd.f32 v4, v8  }
0x10a: {  	v5 =	vsel vm13, v6, v5  }
0x10b: {  	s29 =	sadd.s32 $0x10, s29;
	v4 =	vsel vm14, v5, v4  }
0x10c: {  	s30 =	sshra.s32 s31, $0x2;
	[tilespmem:s29+$0x0] =	vst v4  }
0x10d: {  	v4 =	vld [tilespmem:s30+$0x5E0]  }
0x10e: {  	v5 =	vld [tilespmem:s30+$0x45E0]  }
0x10f: {  	v6 =	vld [tilespmem:s30+$0x5F0]  }
0x110: {  	v7 =	vld [tilespmem:s30+$0x45F0]  }
0x111: {  	v8 =	vld [tilespmem:s30+$0x5C0]  }
0x112: {  	v9 =	vld [tilespmem:s30+$0x45C0]  }
0x113: {  	v10 =	vld [tilespmem:s30+$0x5D0]  }
0x114: {  	v11 =	vld [tilespmem:s30+$0x45D0]  }
0x115: {  	v12 =	vld [tilespmem:s30+$0x5A0]  }
0x116: {  	v13 =	vld [tilespmem:s30+$0x45A0]  }
0x117: {  	v14 =	vld [tilespmem:s30+$0x5B0]  }
0x118: {  	v15 =	vld [tilespmem:s30+$0x45B0]  }
0x119: {  	v16 =	vld [tilespmem:s30+$0x580]  }
0x11a: {  	v17 =	vld [tilespmem:s30+$0x4580]  }
0x11b: {  	v18 =	vld [tilespmem:s30+$0x590]  }
0x11c: {  	v19 =	vld [tilespmem:s30+$0x4590]  }
0x11d: {  	v20 =	vld [tilespmem:s30+$0x560]  }
0x11e: {  	v21 =	vld [tilespmem:s30+$0x4560]  }
0x11f: {  	v22 =	vld [tilespmem:s30+$0x570]  }
0x120: {  	v23 =	vld [tilespmem:s30+$0x4570]  }
0x121: {  	v24 =	vld [tilespmem:s30+$0x540]  }
0x122: {  	v25 =	vld [tilespmem:s30+$0x4540]  }
0x123: {  	v26 =	vld [tilespmem:s30+$0x550]  }
0x124: {  	v27 =	vld [tilespmem:s30+$0x4550]  }
0x125: {  	v28 =	vld [tilespmem:s30+$0x520]  }
0x126: {  	v29 =	vld [tilespmem:s30+$0x4520]  }
0x127: {  	v30 =	vld [tilespmem:s30+$0x530]  }
0x128: {  	v31 =	vld [tilespmem:s30+$0x4530]  }
0x129: {  	v32 =	vld [tilespmem:s30+$0x500]  }
0x12a: {  	v4 =	vmul.f32 v5, v4;
	v5 =	vmul.f32 v7, v6;
	v33 =	vld [tilespmem:s30+$0x4500]  }
0x12b: {  	v6 =	vmul.f32 v9, v8;
	v7 =	vmul.f32 v11, v10;
	v34 =	vld [tilespmem:s30+$0x510]  }
0x12c: {  	v8 =	vmul.f32 v13, v12;
	v9 =	vmul.f32 v15, v14;
	v35 =	vld [tilespmem:s30+$0x4510]  }
0x12d: {  	v10 =	vmul.f32 v17, v16;
	v11 =	vmul.f32 v19, v18;
	v36 =	vld [tilespmem:s30+$0x4E0]  }
0x12e: {  	v4 =	vadd.f32 v5, v4;
	v6 =	vadd.f32 v7, v6;
	v18 =	vld [tilespmem:s30+$0x44E0]  }
0x12f: {  	v7 =	vadd.f32 v9, v8;
	v5 =	vadd.f32 v11, v10;
	v37 =	vld [tilespmem:s30+$0x4F0]  }
0x130: {  	v8 =	vperm.xlane v6, v0;
	v9 =	vperm.xlane v4, v0;
	v38 =	vld [tilespmem:s30+$0x44F0]  }
0x131: {  	v11 =	vperm.xlane v7, v0;
	v10 =	vperm.xlane v5, v0;
	v39 =	vld [tilespmem:s30+$0x4C0]  }
0x132: {  	v6 =	vadd.f32 v6, v8;
	v4 =	vadd.f32 v4, v9;
	v40 =	vld [tilespmem:s30+$0x44C0]  }
0x133: {  	v7 =	vadd.f32 v7, v11;
	v5 =	vadd.f32 v5, v10;
	v41 =	vld [tilespmem:s30+$0x4D0]  }
0x134: {  	v8 =	vperm.xlane v6, v1;
	v9 =	vperm.xlane v4, v1;
	v42 =	vld [tilespmem:s30+$0x44D0]  }
0x135: {  	v15 =	vperm.xlane v7, v1;
	v13 =	vperm.xlane v5, v1;
	v10 =	vld [tilespmem:s30+$0x4A0]  }
0x136: {  	v6 =	vadd.f32 v6, v8;
	v4 =	vadd.f32 v4, v9;
	v12 =	vld [tilespmem:s30+$0x44A0]  }
0x137: {  	v15 =	vadd.f32 v7, v15;
	v14 =	vadd.f32 v5, v13;
	v11 =	vld [tilespmem:s30+$0x4B0]  }
0x138: {  	v9 =	vperm.xlane v4, v2;
	v5 =	vperm.xlane v6, v2;
	v13 =	vld [tilespmem:s30+$0x44B0]  }
0x139: {  	v19 =	vperm.xlane v15, v2;
	v16 =	vperm.xlane v14, v2;
	v7 =	vld [tilespmem:s30+$0x480]  }
0x13a: {  	v20 =	vmul.f32 v21, v20;
	v21 =	vmul.f32 v23, v22;
	v4 =	vadd.f32 v4, v9;
	v8 =	vld [tilespmem:s30+$0x4480]  }
0x13b: {  	v22 =	vmul.f32 v25, v24;
	v23 =	vmul.f32 v27, v26;
	v5 =	vadd.f32 v6, v5;
	v9 =	vld [tilespmem:s30+$0x490]  }
0x13c: {  	v24 =	vmul.f32 v29, v28;
	v25 =	vmul.f32 v31, v30;
	v6 =	vadd.f32 v15, v19;
	v17 =	vld [tilespmem:s30+$0x460]  }
0x13d: {  	v28 =	vadd.f32 v21, v20;
	v26 =	vmul.f32 v33, v32;
	v27 =	vmul.f32 v35, v34;
	v19 =	vld [tilespmem:s30+$0x4460]  }
0x13e: {  	v30 =	vadd.f32 v23, v22;
	v21 =	vmul.f32 v18, v36;
	v29 =	vmul.f32 v38, v37;
	v15 =	vld [tilespmem:s30+$0x470]  }
0x13f: {  	v24 =	vadd.f32 v25, v24;
	v22 =	vmul.f32 v40, v39;
	v23 =	vmul.f32 v42, v41;
	v18 =	vld [tilespmem:s30+$0x440]  }
0x140: {  	v26 =	vadd.f32 v27, v26;
	v27 =	vperm.xlane v28, v0;
	v25 =	vadd.f32 v29, v21;
	v20 =	vld [tilespmem:s30+$0x4440]  }
0x141: {  	v32 =	vperm.xlane v30, v0;
	v31 =	vperm.xlane v24, v0;
	v29 =	vadd.f32 v23, v22;
	v21 =	vld [tilespmem:s30+$0x450]  }
0x142: {  	v34 =	vperm.xlane v26, v0;
	v27 =	vadd.f32 v28, v27;
	v33 =	vperm.xlane v25, v0;
	v22 =	vld [tilespmem:s30+$0x4400]  }
0x143: {  	v30 =	vadd.f32 v30, v32;
	v31 =	vadd.f32 v24, v31;
	v28 =	vperm.xlane v29, v0;
	v23 =	vld [tilespmem:s30+$0x400]  }
.Ltmp0:
0x144: {  	v37 =	vadd.f32 v26, v34;
	v32 =	vperm.xlane v27, v1;
	v35 =	vadd.f32 v25, v33;
	v24 =	vld [tilespmem:s30+$0x410];
	(pc) =	sbr.rel @p0 .LBB2_2-.Ltmp0, $4  }
0x145: {  	v38 =	vperm.xlane v30, v1;
	v34 =	vadd.f32 v29, v28;
	v29 =	vperm.xlane v31, v1;
	v25 =	vld [tilespmem:s30+$0x4410]  }
0x146: {  	v40 =	vperm.xlane v37, v1;
	v33 =	vadd.f32 v27, v32;
	v39 =	vperm.xlane v35, v1;
	v26 =	vld [tilespmem:s30+$0x420]  }
0x147: {  	v32 =	vadd.f32 v30, v38;
	v36 =	vperm.xlane v34, v1;
	v29 =	vadd.f32 v31, v29;
	v28 =	vld [tilespmem:s30+$0x4420]  }
0x148: {  	s31 =	sadd.s32 $0x800, s31;
	v27 =	vadd.f32 v35, v39;
	v35 =	vperm.xlane v33, v2;
	v31 =	vadd.f32 v37, v40;
	v30 =	vld [tilespmem:s30+$0x430]  }
0x149: {  	v49 =	vperm.xlane v29, v2;
	v38 =	vperm.xlane v32, v2  }
0x14a: {  	v37 =	vld [tilespmem:s30+$0x4430];
	v10 =	vmul.f32 v12, v10;
	v17 =	vmul.f32 v19, v17  }
0x14b: {  	v39 =	vld [tilespmem:s30+$0x4450];
	v11 =	vmul.f32 v13, v11;
	v22 =	vmul.f32 v22, v23  }
0x14c: {  	v34 =	vadd.f32 v34, v36;
	v50 =	vld [tilespmem:s30+$0x4470];
	v18 =	vmul.f32 v20, v18;
	v7 =	vmul.f32 v8, v7  }
0x14d: {  	v14 =	vadd.f32 v14, v16;
	v52 =	vld [tilespmem:s30+$0x4490];
	v40 =	vperm.xlane v27, v2;
	v41 =	vperm.xlane v31, v2  }
0x14e: {  	v33 =	vadd.f32 v33, v35;
	v53 =	vmul.f32 v25, v24;
	v51 =	vperm.xlane v34, v2  }
0x14f: {  	v13 =	vadd.f32 v32, v38;
	v54 =	vmul.f32 v28, v26;
	v55 =	vmul.f32 v37, v30  }
0x150: {  	v24 =	vadd.f32 v29, v49;
	v56 =	vadd.f32 v31, v41;
	v57 =	vmul.f32 v39, v21  }
0x151: {  	v22 =	vadd.f32 v53, v22;
	v15 =	vmul.f32 v50, v15;
	v59 =	vadd.f32 v55, v54  }
0x152: {  	v58 =	vadd.f32 v27, v40;
	v61 =	vmul.f32 v52, v9;
	v60 =	vadd.f32 v57, v18  }
0x153: {  	v62 =	vperm.xlane v22, v0;
	v15 =	vadd.f32 v15, v17;
	v63 =	vperm.xlane v59, v0  }
0x154: {  	v26 =	vadd.f32 v11, v10;
	v7 =	vadd.f32 v61, v7;
	v25 =	vperm.xlane v60, v0  }
0x155: {  	v9 =	vadd.f32 v22, v62;
	v29 =	vperm.xlane v15, v0;
	v27 =	vadd.f32 v59, v63  }
0x156: {  	v31 =	vperm.xlane v26, v0;
	v30 =	vperm.xlane v7, v0;
	v16 =	vadd.f32 v60, v25  }
0x157: {  	v32 =	vperm.xlane v9, v1;
	v11 =	vadd.f32 v15, v29;
	v35 =	vperm.xlane v27, v1  }
0x158: {  	v8 =	vadd.f32 v26, v31;
	v7 =	vadd.f32 v7, v30;
	v36 =	vperm.xlane v16, v1  }
0x159: {  	v9 =	vadd.f32 v9, v32;
	v37 =	vperm.xlane v11, v1;
	v10 =	vadd.f32 v27, v35  }
0x15a: {  	v18 =	vperm.xlane v8, v1;
	v38 =	vperm.xlane v7, v1;
	v15 =	vadd.f32 v16, v36  }
0x15b: {  	v19 =	vperm.xlane v9, v2;
	v11 =	vadd.f32 v11, v37;
	v20 =	vperm.xlane v10, v2  }
0x15c: {  	v8 =	vadd.f32 v8, v18;
	v7 =	vadd.f32 v7, v38;
	v39 =	vperm.xlane v15, v2  }
0x15d: {  	v9 =	vadd.f32 v9, v19;
	v40 =	vperm.xlane v11, v2;
	v10 =	vadd.f32 v10, v20  }
0x15e: {  	v18 =	vperm.xlane v8, v2;
	v41 =	vperm.xlane v7, v2;
	v15 =	vadd.f32 v15, v39  }
0x15f: {  	v19 =	vperm.xlane v9, v3;
	v11 =	vadd.f32 v11, v40;
	v20 =	vperm.xlane v10, v3  }
0x160: {  	v8 =	vadd.f32 v8, v18;
	v7 =	vadd.f32 v7, v41;
	v42 =	vperm.xlane v15, v3  }
0x161: {  	v9 =	vadd.f32 v9, v19;
	v43 =	vperm.xlane v11, v3;
	v10 =	vadd.f32 v10, v20  }
0x162: {  	v12 =	vadd.f32 v34, v51;
	v44 =	vperm.xlane v7, v3;
	v15 =	vadd.f32 v15, v42  }
0x163: {  	v46 =	vperm.xlane v8, v3;
	v45 =	vadd.f32 v11, v43;
	v9 =	vsel vm0, v9, v10  }
0x164: {  	v47 =	vperm.xlane v12, v3;
	v7 =	vadd.f32 v7, v44;
	v9 =	vsel vm1, v9, v15  }
0x165: {  	v48 =	vperm.xlane v58, v3;
	v8 =	vadd.f32 v8, v46;
	v9 =	vsel vm2, v9, v45  }
0x166: {  	v50 =	vperm.xlane v56, v3;
	v49 =	vadd.f32 v12, v47;
	v7 =	vsel vm3, v9, v7  }
0x167: {  	v52 =	vperm.xlane v24, v3;
	v51 =	vadd.f32 v58, v48;
	v7 =	vsel vm4, v7, v8  }
0x168: {  	v53 =	vadd.f32 v56, v50;
	v54 =	vperm.xlane v13, v3;
	v7 =	vsel vm5, v7, v49  }
0x169: {  	v55 =	vadd.f32 v24, v52;
	v56 =	vperm.xlane v33, v3;
	v7 =	vsel vm6, v7, v51  }
0x16a: {  	v58 =	vperm.xlane v14, v3;
	v57 =	vadd.f32 v13, v54;
	v7 =	vsel vm7, v7, v53  }
0x16b: {  	v59 =	vadd.f32 v33, v56;
	v60 =	vperm.xlane v6, v3;
	v7 =	vsel vm8, v7, v55  }
0x16c: {  	v62 =	vperm.xlane v5, v3;
	v61 =	vadd.f32 v14, v58;
	v7 =	vsel vm9, v7, v57  }
0x16d: {  	v63 =	vperm.xlane v4, v3;
	v6 =	vadd.f32 v6, v60;
	v7 =	vsel vm10, v7, v59  }
0x16e: {  	v5 =	vadd.f32 v5, v62;
	v7 =	vsel vm11, v7, v61  }
0x16f: {  	v4 =	vadd.f32 v4, v63;
	v6 =	vsel vm12, v7, v6  }
0x170: {  	s28 =	sadd.s32 $0x1, s28;
	v5 =	vsel vm13, v6, v5  }
0x171: {  	s29 =	sadd.s32 $0x10, s29;
	p0 =	sne.s32 s28, s8;
	v4 =	vsel vm14, v5, v4  }
.Ltmp1:
0x172: {  	[tilespmem:s29+$0x0] =	vst v4;
	(pc) =	sbr.rel @p0 .LBB2_1-.Ltmp1, $4  }
0x173: {  	[hbm4b:s7+s1] =	stream.linear.scatter [tilespmem:s26], [sflag:$0x2], $0x200, $0x38;
	[tilespmem:$0x8600] =	vst v63  }
0x174: {  	_ =	swait.ge [sflag:s9], $0x200  }
0x175: {  	[sflag:s9] =	ssyncset.done $0x0  }
0x176: {  	[sflag:s9] =	ssyncadd.s32 $0xFFFFFE00  }
0x177: {  	_ =	sfence.sel $0x180000  }
0x178: {  	[bflag:$0x0] =	sbarrier.arrive $0xFFFF  }
0x179: {  	p0 =	sne.s32 s2, $0x0;
	_ =	strace $0x90000047  }
0x17a: {  	s0 =	sadd.s32 @!p0 $0x100000, s0;
	[bflag:$0x2] =	sbarrier.arrive $0xFFFF  }
0x17b: {  	[sflag:s0] =	ssyncadd.tile.s32 @!p0 $0x1;
	_ =	shalt  }
.Lfunc_end2:
_tile_overlayer_lowered:
.L_overlay_start_2:
0x17c: {  	(tag) =	ssettag $0x2  }
0x17d: {  	s0 =	rddreg [dreg:$0x0];
	s2 =	stileid.u32  }
0x17e: {  	s1 =	rddreg [dreg:$0x1];
	p0 =	sne.s32 s2, $0x0  }
0x17f: {  	s3 =	rddreg [dreg:$0x2];
	[bflag:$0x3] =	sbarrier.arrive $0xFFFF;
	s2 =	simm.s32 @!p0 $0x1C02  }
0x180: {  	[timem:s3], [sflag:s2] =	dma.local @!p0 [hbm:s0], s1  }
0x181: {  	s0 =	simm.s32 @!p0 $0x2  }
0x182: {  	_ =	swait.ge @!p0 [sflag:s0], s1  }
0x183: {  	s1 =	ssub.s32 @!p0 $0x0, s1;
	[sflag:s0] =	ssyncset.done @!p0 $0x0  }
0x184: {  	[sflag:s0] =	ssyncadd.s32 @!p0 s1  }
0x185: {  	[bflag:$0x3] =	sbarrier.arrive $0xFFFF  }
0x186: {  	_ =	shalt  }

</sc_bundles>
